<compile_context>
chip_gen: v7x
topology: tpu7x:2x2x1
jax: 0.10.2.dev20260603
libtpu: 0.0.44.dev20260713+nightly
codegen_flags: <defaults>
</compile_context>

<pallas_src>
import jax
import jax.numpy as jnp
from jax import lax
from jax.experimental import pallas as pl
from jax.experimental.pallas import tpu as pltpu
from jax.experimental.pallas import tpu_sc as plsc

NUM_CORES = 2
NUM_SUBCORES = 16
LANES = 16
NUM_TILES = NUM_CORES * NUM_SUBCORES

BATCH = 16384
DIM = 64
ROWS_PER_TILE = BATCH // NUM_TILES
CHUNK = 128
NUM_CHUNKS = ROWS_PER_TILE // CHUNK
GROUPS = ROWS_PER_TILE // LANES


def _mf_kernel(users_hbm, items_hbm, utab_hbm, itab_hbm, out_hbm,
               uidx_v, iidx_v, urows_v, irows_v, out_v, sem):
    wid = lax.axis_index("s") * NUM_CORES + lax.axis_index("c")

    pltpu.sync_copy(users_hbm.at[wid], uidx_v)
    pltpu.sync_copy(items_hbm.at[wid], iidx_v)

    copies = []
    for j in range(NUM_CHUNKS):
        dst = urows_v.at[pl.ds(j * CHUNK, CHUNK)]
        copies.append(pltpu.async_copy(utab_hbm.at[uidx_v.at[j]], dst, sem))
        dst = irows_v.at[pl.ds(j * CHUNK, CHUNK)]
        copies.append(pltpu.async_copy(itab_hbm.at[iidx_v.at[j]], dst, sem))
    for c in copies:
        c.wait()

    row_iota = lax.iota(jnp.int32, LANES)

    @pl.loop(0, GROUPS)
    def _(g):
        rows = g * LANES + row_iota
        accs = [jnp.zeros((LANES,), jnp.float32) for _ in range(4)]
        for d in range(DIM):
            col = jnp.full((LANES,), d, jnp.int32)
            u = plsc.load_gather(urows_v, [rows, col])
            v = plsc.load_gather(irows_v, [rows, col])
            accs[d % 4] = accs[d % 4] + u * v
        s = (accs[0] + accs[1]) + (accs[2] + accs[3])
        out_v[pl.ds(g * LANES, LANES)] = 1.0 / (1.0 + jnp.exp(-s))

    pltpu.sync_copy(out_v, out_hbm.at[wid])


@jax.jit
def kernel(users, items, user_table, item_table):
    users = users.reshape(NUM_TILES, NUM_CHUNKS, CHUNK)
    items = items.reshape(NUM_TILES, NUM_CHUNKS, CHUNK)
    mesh = plsc.VectorSubcoreMesh(core_axis_name="c", subcore_axis_name="s")
    cp = pltpu.CompilerParams(
        needs_layout_passes=False, use_tc_tiling_on_sc=False
    )
    mf = pl.kernel(
        _mf_kernel,
        out_type=jax.ShapeDtypeStruct((NUM_TILES, ROWS_PER_TILE), jnp.float32),
        mesh=mesh,
        scratch_types=[
            pltpu.VMEM((NUM_CHUNKS, CHUNK), jnp.int32),
            pltpu.VMEM((NUM_CHUNKS, CHUNK), jnp.int32),
            pltpu.VMEM((ROWS_PER_TILE, DIM), jnp.float32),
            pltpu.VMEM((ROWS_PER_TILE, DIM), jnp.float32),
            pltpu.VMEM((ROWS_PER_TILE,), jnp.float32),
            pltpu.SemaphoreType.DMA,
        ],
        compiler_params=cp,
    )
    out = mf(users, items, user_table, item_table)
    return out.reshape(BATCH)

# --- scband reference (transcript-rebuilt; emitter-appended) ---
"""Pipeline reference for scband-pure-mf-25434796327147 (READ-ONLY COPY).

The authoritative reference and input builder live on the scoring server;
editing this copy changes nothing except your own understanding.
"""

import jax, jax.numpy as jnp
import numpy as np

NUM_USERS = 1000000
NUM_ITEMS = 1000000
LATENT_DIM = 64
BATCH = 16384

def setup_inputs(seed: int = 0) -> dict:
    key = jax.random.key(seed)
    k_u, k_i, k_ue, k_ie = jax.random.split(key, 4)
    users = jax.random.randint(k_u, (BATCH,), 0, NUM_USERS, dtype=jnp.int64 if jax.config.jax_enable_x64 else jnp.int32).astype(jnp.int32)
    items = jax.random.randint(k_i, (BATCH,), 0, NUM_ITEMS, dtype=jnp.int32)
    # nn.Embedding default init is N(0,1)
    user_table = jax.random.normal(k_ue, (NUM_USERS, LATENT_DIM), dtype=jnp.float32)
    item_table = jax.random.normal(k_ie, (NUM_ITEMS, LATENT_DIM), dtype=jnp.float32)
    return {"users": users, "items": items, "user_table": user_table, "item_table": item_table}

def reference(users, items, user_table, item_table):
    # PureMF.forward: gather user/item embeddings, elementwise dot, sigmoid
    users_emb = jnp.take(user_table, users, axis=0)
    items_emb = jnp.take(item_table, items, axis=0)
    scores = jnp.sum(users_emb * items_emb, axis=1)
    return jax.nn.sigmoid(scores)

if __name__ == "__main__":
    import jax
    _d = setup_inputs()
    print(jax.jit(kernel)(*tuple(_d.values())))

</pallas_src>

<mosaic_0001>
#map = affine_map<(d0, d1) -> (0, 0, 0)>
#map1 = affine_map<(d0, d1) -> (0, 0)>
module attributes {stable_mosaic.version = 14 : i64} {
  func.func @_mf_kernel(%arg0: i32, %arg1: i32, %arg2: memref<32x4x128xi32, #tpu.memory_space<hbm>>, %arg3: memref<32x4x128xi32, #tpu.memory_space<hbm>>, %arg4: memref<1000000x64xf32, #tpu.memory_space<hbm>>, %arg5: memref<1000000x64xf32, #tpu.memory_space<hbm>>, %arg6: memref<32x512xf32, #tpu.memory_space<hbm>>, %arg7: memref<4x128xi32, #tpu.memory_space<vmem>>, %arg8: memref<4x128xi32, #tpu.memory_space<vmem>>, %arg9: memref<512x64xf32, #tpu.memory_space<vmem>>, %arg10: memref<512x64xf32, #tpu.memory_space<vmem>>, %arg11: memref<512xf32, #tpu.memory_space<vmem>>, %arg12: memref<!tpu.dma_semaphore, #tpu.memory_space<semaphore_mem>>) attributes {dimension_semantics = [#tpu.dimension_semantics<core_parallel>, #tpu.dimension_semantics<subcore_parallel>], iteration_bounds = array<i64: 2, 16>, scalar_prefetch = 0 : i64, scratch_operands = 6 : i64, tpu.core_type = #tpu.core_type<sc_vector_subcore>, window_params = [{transform_indices = #map}, {transform_indices = #map}, {transform_indices = #map1}, {transform_indices = #map1}, {transform_indices = #map1}]} {
    %mul3A = arith.constant 2 : i32
    %mul3A_0 = arith.muli %arg1, %mul3A : i32
    %add3A = arith.addi %mul3A_0, %arg0 : i32
    "tpu.region"() ({
      %run_scoped3A = tpu.sem_alloc : memref<!tpu.dma_semaphore, #tpu.memory_space<semaphore_mem>>
      %dma_start3A_163 = arith.constant 0 : i32
      %dma_start3A_164 = arith.constant 0 : i32
      %dma_start3A_165 = tpu.memref_slice %arg2[%add3A, %dma_start3A_163, %dma_start3A_164] : memref<32x4x128xi32, #tpu.memory_space<hbm>> -> memref<1x4x128xi32, #tpu.memory_space<hbm>>
      %dma_start3A_166 = tpu.memref_squeeze %dma_start3A_165 : memref<1x4x128xi32, #tpu.memory_space<hbm>> -> memref<4x128xi32, #tpu.memory_space<hbm>>
      %dma_start3A_167 = arith.constant 0 : i32
      %dma_start3A_168 = arith.constant 0 : i32
      %dma_start3A_169 = tpu.memref_slice %arg2[%add3A, %dma_start3A_167, %dma_start3A_168] : memref<32x4x128xi32, #tpu.memory_space<hbm>> -> memref<1x4x128xi32, #tpu.memory_space<hbm>>
      %dma_start3A_170 = tpu.memref_squeeze %dma_start3A_169 : memref<1x4x128xi32, #tpu.memory_space<hbm>> -> memref<4x128xi32, #tpu.memory_space<hbm>>
      tpu.enqueue_dma source(%dma_start3A_170 : memref<4x128xi32, #tpu.memory_space<hbm>>) target(%arg7 : memref<4x128xi32, #tpu.memory_space<vmem>>) target_semaphore(%run_scoped3A : memref<!tpu.dma_semaphore, #tpu.memory_space<semaphore_mem>>)
      %dma_wait3A_171 = arith.constant 0 : i32
      %dma_wait3A_172 = arith.constant 0 : i32
      %dma_wait3A_173 = tpu.memref_slice %arg2[%add3A, %dma_wait3A_171, %dma_wait3A_172] : memref<32x4x128xi32, #tpu.memory_space<hbm>> -> memref<1x4x128xi32, #tpu.memory_space<hbm>>
      %dma_wait3A_174 = tpu.memref_squeeze %dma_wait3A_173 : memref<1x4x128xi32, #tpu.memory_space<hbm>> -> memref<4x128xi32, #tpu.memory_space<hbm>>
      %dma_wait3A_175 = arith.constant 0 : i32
      %dma_wait3A_176 = arith.constant 0 : i32
      %dma_wait3A_177 = tpu.memref_slice %arg2[%add3A, %dma_wait3A_175, %dma_wait3A_176] : memref<32x4x128xi32, #tpu.memory_space<hbm>> -> memref<1x4x128xi32, #tpu.memory_space<hbm>>
      %dma_wait3A_178 = tpu.memref_squeeze %dma_wait3A_177 : memref<1x4x128xi32, #tpu.memory_space<hbm>> -> memref<4x128xi32, #tpu.memory_space<hbm>>
      tpu.wait_dma2 semaphore(%run_scoped3A : memref<!tpu.dma_semaphore, #tpu.memory_space<semaphore_mem>>) src(%dma_wait3A_178 : memref<4x128xi32, #tpu.memory_space<hbm>>) dst(%arg7 : memref<4x128xi32, #tpu.memory_space<vmem>>)
      tpu.yield
    }) : () -> ()
    "tpu.region"() ({
      %run_scoped3A = tpu.sem_alloc : memref<!tpu.dma_semaphore, #tpu.memory_space<semaphore_mem>>
      %dma_start3A_163 = arith.constant 0 : i32
      %dma_start3A_164 = arith.constant 0 : i32
      %dma_start3A_165 = tpu.memref_slice %arg3[%add3A, %dma_start3A_163, %dma_start3A_164] : memref<32x4x128xi32, #tpu.memory_space<hbm>> -> memref<1x4x128xi32, #tpu.memory_space<hbm>>
      %dma_start3A_166 = tpu.memref_squeeze %dma_start3A_165 : memref<1x4x128xi32, #tpu.memory_space<hbm>> -> memref<4x128xi32, #tpu.memory_space<hbm>>
      %dma_start3A_167 = arith.constant 0 : i32
      %dma_start3A_168 = arith.constant 0 : i32
      %dma_start3A_169 = tpu.memref_slice %arg3[%add3A, %dma_start3A_167, %dma_start3A_168] : memref<32x4x128xi32, #tpu.memory_space<hbm>> -> memref<1x4x128xi32, #tpu.memory_space<hbm>>
      %dma_start3A_170 = tpu.memref_squeeze %dma_start3A_169 : memref<1x4x128xi32, #tpu.memory_space<hbm>> -> memref<4x128xi32, #tpu.memory_space<hbm>>
      tpu.enqueue_dma source(%dma_start3A_170 : memref<4x128xi32, #tpu.memory_space<hbm>>) target(%arg8 : memref<4x128xi32, #tpu.memory_space<vmem>>) target_semaphore(%run_scoped3A : memref<!tpu.dma_semaphore, #tpu.memory_space<semaphore_mem>>)
      %dma_wait3A_171 = arith.constant 0 : i32
      %dma_wait3A_172 = arith.constant 0 : i32
      %dma_wait3A_173 = tpu.memref_slice %arg3[%add3A, %dma_wait3A_171, %dma_wait3A_172] : memref<32x4x128xi32, #tpu.memory_space<hbm>> -> memref<1x4x128xi32, #tpu.memory_space<hbm>>
      %dma_wait3A_174 = tpu.memref_squeeze %dma_wait3A_173 : memref<1x4x128xi32, #tpu.memory_space<hbm>> -> memref<4x128xi32, #tpu.memory_space<hbm>>
      %dma_wait3A_175 = arith.constant 0 : i32
      %dma_wait3A_176 = arith.constant 0 : i32
      %dma_wait3A_177 = tpu.memref_slice %arg3[%add3A, %dma_wait3A_175, %dma_wait3A_176] : memref<32x4x128xi32, #tpu.memory_space<hbm>> -> memref<1x4x128xi32, #tpu.memory_space<hbm>>
      %dma_wait3A_178 = tpu.memref_squeeze %dma_wait3A_177 : memref<1x4x128xi32, #tpu.memory_space<hbm>> -> memref<4x128xi32, #tpu.memory_space<hbm>>
      tpu.wait_dma2 semaphore(%run_scoped3A : memref<!tpu.dma_semaphore, #tpu.memory_space<semaphore_mem>>) src(%dma_wait3A_178 : memref<4x128xi32, #tpu.memory_space<hbm>>) dst(%arg8 : memref<4x128xi32, #tpu.memory_space<vmem>>)
      tpu.yield
    }) : () -> ()
    %dma_start3A = arith.constant 0 : i32
    %dma_start3A_1 = arith.constant 0 : i32
    %dma_start3A_2 = arith.constant 0 : i32
    %dma_start3A_3 = tpu.memref_slice %arg9[%dma_start3A_1, %dma_start3A_2] : memref<512x64xf32, #tpu.memory_space<vmem>> -> memref<128x64xf32, #tpu.memory_space<vmem>>
    %dma_start3A_4 = arith.constant 0 : i32
    %dma_start3A_5 = tpu.memref_slice %arg7[%dma_start3A, %dma_start3A_4] : memref<4x128xi32, #tpu.memory_space<vmem>> -> memref<1x128xi32, #tpu.memory_space<vmem>>
    %dma_start3A_6 = tpu.memref_squeeze %dma_start3A_5 : memref<1x128xi32, #tpu.memory_space<vmem>> -> memref<128xi32, #tpu.memory_space<vmem>>
    %dma_start3A_7 = arith.constant 0 : i32
    %dma_start3A_8 = arith.constant 0 : i32
    %dma_start3A_9 = tpu.memref_slice %arg4[%dma_start3A_7, %dma_start3A_8] : memref<1000000x64xf32, #tpu.memory_space<hbm>> -> memref<1000000x64xf32, #tpu.memory_space<hbm>>
    tpu.enqueue_indirect_dma source(%dma_start3A_9 : memref<1000000x64xf32, #tpu.memory_space<hbm>>) target(%dma_start3A_3 : memref<128x64xf32, #tpu.memory_space<vmem>>) offsets(%dma_start3A_6 : memref<128xi32, #tpu.memory_space<vmem>>) semaphore(%arg12 : memref<!tpu.dma_semaphore, #tpu.memory_space<semaphore_mem>>)
    %dma_start3A_10 = arith.constant 0 : i32
    %dma_start3A_11 = arith.constant 0 : i32
    %dma_start3A_12 = arith.constant 0 : i32
    %dma_start3A_13 = tpu.memref_slice %arg10[%dma_start3A_11, %dma_start3A_12] : memref<512x64xf32, #tpu.memory_space<vmem>> -> memref<128x64xf32, #tpu.memory_space<vmem>>
    %dma_start3A_14 = arith.constant 0 : i32
    %dma_start3A_15 = tpu.memref_slice %arg8[%dma_start3A_10, %dma_start3A_14] : memref<4x128xi32, #tpu.memory_space<vmem>> -> memref<1x128xi32, #tpu.memory_space<vmem>>
    %dma_start3A_16 = tpu.memref_squeeze %dma_start3A_15 : memref<1x128xi32, #tpu.memory_space<vmem>> -> memref<128xi32, #tpu.memory_space<vmem>>
    %dma_start3A_17 = arith.constant 0 : i32
    %dma_start3A_18 = arith.constant 0 : i32
    %dma_start3A_19 = tpu.memref_slice %arg5[%dma_start3A_17, %dma_start3A_18] : memref<1000000x64xf32, #tpu.memory_space<hbm>> -> memref<1000000x64xf32, #tpu.memory_space<hbm>>
    tpu.enqueue_indirect_dma source(%dma_start3A_19 : memref<1000000x64xf32, #tpu.memory_space<hbm>>) target(%dma_start3A_13 : memref<128x64xf32, #tpu.memory_space<vmem>>) offsets(%dma_start3A_16 : memref<128xi32, #tpu.memory_space<vmem>>) semaphore(%arg12 : memref<!tpu.dma_semaphore, #tpu.memory_space<semaphore_mem>>)
    %dma_start3A_20 = arith.constant 1 : i32
    %dma_start3A_21 = arith.constant 128 : i32
    %dma_start3A_22 = arith.constant 0 : i32
    %dma_start3A_23 = tpu.memref_slice %arg9[%dma_start3A_21, %dma_start3A_22] : memref<512x64xf32, #tpu.memory_space<vmem>> -> memref<128x64xf32, #tpu.memory_space<vmem>>
    %dma_start3A_24 = arith.constant 0 : i32
    %dma_start3A_25 = tpu.memref_slice %arg7[%dma_start3A_20, %dma_start3A_24] : memref<4x128xi32, #tpu.memory_space<vmem>> -> memref<1x128xi32, #tpu.memory_space<vmem>>
    %dma_start3A_26 = tpu.memref_squeeze %dma_start3A_25 : memref<1x128xi32, #tpu.memory_space<vmem>> -> memref<128xi32, #tpu.memory_space<vmem>>
    %dma_start3A_27 = arith.constant 0 : i32
    %dma_start3A_28 = arith.constant 0 : i32
    %dma_start3A_29 = tpu.memref_slice %arg4[%dma_start3A_27, %dma_start3A_28] : memref<1000000x64xf32, #tpu.memory_space<hbm>> -> memref<1000000x64xf32, #tpu.memory_space<hbm>>
    tpu.enqueue_indirect_dma source(%dma_start3A_29 : memref<1000000x64xf32, #tpu.memory_space<hbm>>) target(%dma_start3A_23 : memref<128x64xf32, #tpu.memory_space<vmem>>) offsets(%dma_start3A_26 : memref<128xi32, #tpu.memory_space<vmem>>) semaphore(%arg12 : memref<!tpu.dma_semaphore, #tpu.memory_space<semaphore_mem>>)
    %dma_start3A_30 = arith.constant 1 : i32
    %dma_start3A_31 = arith.constant 128 : i32
    %dma_start3A_32 = arith.constant 0 : i32
    %dma_start3A_33 = tpu.memref_slice %arg10[%dma_start3A_31, %dma_start3A_32] : memref<512x64xf32, #tpu.memory_space<vmem>> -> memref<128x64xf32, #tpu.memory_space<vmem>>
    %dma_start3A_34 = arith.constant 0 : i32
    %dma_start3A_35 = tpu.memref_slice %arg8[%dma_start3A_30, %dma_start3A_34] : memref<4x128xi32, #tpu.memory_space<vmem>> -> memref<1x128xi32, #tpu.memory_space<vmem>>
    %dma_start3A_36 = tpu.memref_squeeze %dma_start3A_35 : memref<1x128xi32, #tpu.memory_space<vmem>> -> memref<128xi32, #tpu.memory_space<vmem>>
    %dma_start3A_37 = arith.constant 0 : i32
    %dma_start3A_38 = arith.constant 0 : i32
    %dma_start3A_39 = tpu.memref_slice %arg5[%dma_start3A_37, %dma_start3A_38] : memref<1000000x64xf32, #tpu.memory_space<hbm>> -> memref<1000000x64xf32, #tpu.memory_space<hbm>>
    tpu.enqueue_indirect_dma source(%dma_start3A_39 : memref<1000000x64xf32, #tpu.memory_space<hbm>>) target(%dma_start3A_33 : memref<128x64xf32, #tpu.memory_space<vmem>>) offsets(%dma_start3A_36 : memref<128xi32, #tpu.memory_space<vmem>>) semaphore(%arg12 : memref<!tpu.dma_semaphore, #tpu.memory_space<semaphore_mem>>)
    %dma_start3A_40 = arith.constant 2 : i32
    %dma_start3A_41 = arith.constant 256 : i32
    %dma_start3A_42 = arith.constant 0 : i32
    %dma_start3A_43 = tpu.memref_slice %arg9[%dma_start3A_41, %dma_start3A_42] : memref<512x64xf32, #tpu.memory_space<vmem>> -> memref<128x64xf32, #tpu.memory_space<vmem>>
    %dma_start3A_44 = arith.constant 0 : i32
    %dma_start3A_45 = tpu.memref_slice %arg7[%dma_start3A_40, %dma_start3A_44] : memref<4x128xi32, #tpu.memory_space<vmem>> -> memref<1x128xi32, #tpu.memory_space<vmem>>
    %dma_start3A_46 = tpu.memref_squeeze %dma_start3A_45 : memref<1x128xi32, #tpu.memory_space<vmem>> -> memref<128xi32, #tpu.memory_space<vmem>>
    %dma_start3A_47 = arith.constant 0 : i32
    %dma_start3A_48 = arith.constant 0 : i32
    %dma_start3A_49 = tpu.memref_slice %arg4[%dma_start3A_47, %dma_start3A_48] : memref<1000000x64xf32, #tpu.memory_space<hbm>> -> memref<1000000x64xf32, #tpu.memory_space<hbm>>
    tpu.enqueue_indirect_dma source(%dma_start3A_49 : memref<1000000x64xf32, #tpu.memory_space<hbm>>) target(%dma_start3A_43 : memref<128x64xf32, #tpu.memory_space<vmem>>) offsets(%dma_start3A_46 : memref<128xi32, #tpu.memory_space<vmem>>) semaphore(%arg12 : memref<!tpu.dma_semaphore, #tpu.memory_space<semaphore_mem>>)
    %dma_start3A_50 = arith.constant 2 : i32
    %dma_start3A_51 = arith.constant 256 : i32
    %dma_start3A_52 = arith.constant 0 : i32
    %dma_start3A_53 = tpu.memref_slice %arg10[%dma_start3A_51, %dma_start3A_52] : memref<512x64xf32, #tpu.memory_space<vmem>> -> memref<128x64xf32, #tpu.memory_space<vmem>>
    %dma_start3A_54 = arith.constant 0 : i32
    %dma_start3A_55 = tpu.memref_slice %arg8[%dma_start3A_50, %dma_start3A_54] : memref<4x128xi32, #tpu.memory_space<vmem>> -> memref<1x128xi32, #tpu.memory_space<vmem>>
    %dma_start3A_56 = tpu.memref_squeeze %dma_start3A_55 : memref<1x128xi32, #tpu.memory_space<vmem>> -> memref<128xi32, #tpu.memory_space<vmem>>
    %dma_start3A_57 = arith.constant 0 : i32
    %dma_start3A_58 = arith.constant 0 : i32
    %dma_start3A_59 = tpu.memref_slice %arg5[%dma_start3A_57, %dma_start3A_58] : memref<1000000x64xf32, #tpu.memory_space<hbm>> -> memref<1000000x64xf32, #tpu.memory_space<hbm>>
    tpu.enqueue_indirect_dma source(%dma_start3A_59 : memref<1000000x64xf32, #tpu.memory_space<hbm>>) target(%dma_start3A_53 : memref<128x64xf32, #tpu.memory_space<vmem>>) offsets(%dma_start3A_56 : memref<128xi32, #tpu.memory_space<vmem>>) semaphore(%arg12 : memref<!tpu.dma_semaphore, #tpu.memory_space<semaphore_mem>>)
    %dma_start3A_60 = arith.constant 3 : i32
    %dma_start3A_61 = arith.constant 384 : i32
    %dma_start3A_62 = arith.constant 0 : i32
    %dma_start3A_63 = tpu.memref_slice %arg9[%dma_start3A_61, %dma_start3A_62] : memref<512x64xf32, #tpu.memory_space<vmem>> -> memref<128x64xf32, #tpu.memory_space<vmem>>
    %dma_start3A_64 = arith.constant 0 : i32
    %dma_start3A_65 = tpu.memref_slice %arg7[%dma_start3A_60, %dma_start3A_64] : memref<4x128xi32, #tpu.memory_space<vmem>> -> memref<1x128xi32, #tpu.memory_space<vmem>>
    %dma_start3A_66 = tpu.memref_squeeze %dma_start3A_65 : memref<1x128xi32, #tpu.memory_space<vmem>> -> memref<128xi32, #tpu.memory_space<vmem>>
    %dma_start3A_67 = arith.constant 0 : i32
    %dma_start3A_68 = arith.constant 0 : i32
    %dma_start3A_69 = tpu.memref_slice %arg4[%dma_start3A_67, %dma_start3A_68] : memref<1000000x64xf32, #tpu.memory_space<hbm>> -> memref<1000000x64xf32, #tpu.memory_space<hbm>>
    tpu.enqueue_indirect_dma source(%dma_start3A_69 : memref<1000000x64xf32, #tpu.memory_space<hbm>>) target(%dma_start3A_63 : memref<128x64xf32, #tpu.memory_space<vmem>>) offsets(%dma_start3A_66 : memref<128xi32, #tpu.memory_space<vmem>>) semaphore(%arg12 : memref<!tpu.dma_semaphore, #tpu.memory_space<semaphore_mem>>)
    %dma_start3A_70 = arith.constant 3 : i32
    %dma_start3A_71 = arith.constant 384 : i32
    %dma_start3A_72 = arith.constant 0 : i32
    %dma_start3A_73 = tpu.memref_slice %arg10[%dma_start3A_71, %dma_start3A_72] : memref<512x64xf32, #tpu.memory_space<vmem>> -> memref<128x64xf32, #tpu.memory_space<vmem>>
    %dma_start3A_74 = arith.constant 0 : i32
    %dma_start3A_75 = tpu.memref_slice %arg8[%dma_start3A_70, %dma_start3A_74] : memref<4x128xi32, #tpu.memory_space<vmem>> -> memref<1x128xi32, #tpu.memory_space<vmem>>
    %dma_start3A_76 = tpu.memref_squeeze %dma_start3A_75 : memref<1x128xi32, #tpu.memory_space<vmem>> -> memref<128xi32, #tpu.memory_space<vmem>>
    %dma_start3A_77 = arith.constant 0 : i32
    %dma_start3A_78 = arith.constant 0 : i32
    %dma_start3A_79 = tpu.memref_slice %arg5[%dma_start3A_77, %dma_start3A_78] : memref<1000000x64xf32, #tpu.memory_space<hbm>> -> memref<1000000x64xf32, #tpu.memory_space<hbm>>
    tpu.enqueue_indirect_dma source(%dma_start3A_79 : memref<1000000x64xf32, #tpu.memory_space<hbm>>) target(%dma_start3A_73 : memref<128x64xf32, #tpu.memory_space<vmem>>) offsets(%dma_start3A_76 : memref<128xi32, #tpu.memory_space<vmem>>) semaphore(%arg12 : memref<!tpu.dma_semaphore, #tpu.memory_space<semaphore_mem>>)
    %dma_wait3A = arith.constant 0 : i32
    %dma_wait3A_80 = arith.constant 0 : i32
    %dma_wait3A_81 = arith.constant 0 : i32
    %dma_wait3A_82 = tpu.memref_slice %arg9[%dma_wait3A_80, %dma_wait3A_81] : memref<512x64xf32, #tpu.memory_space<vmem>> -> memref<128x64xf32, #tpu.memory_space<vmem>>
    %dma_wait3A_83 = arith.constant 0 : i32
    %dma_wait3A_84 = tpu.memref_slice %arg7[%dma_wait3A, %dma_wait3A_83] : memref<4x128xi32, #tpu.memory_space<vmem>> -> memref<1x128xi32, #tpu.memory_space<vmem>>
    %dma_wait3A_85 = tpu.memref_squeeze %dma_wait3A_84 : memref<1x128xi32, #tpu.memory_space<vmem>> -> memref<128xi32, #tpu.memory_space<vmem>>
    %dma_wait3A_86 = arith.constant 0 : i32
    %dma_wait3A_87 = arith.constant 0 : i32
    %dma_wait3A_88 = tpu.memref_slice %arg4[%dma_wait3A_86, %dma_wait3A_87] : memref<1000000x64xf32, #tpu.memory_space<hbm>> -> memref<1000000x64xf32, #tpu.memory_space<hbm>>
    tpu.wait_indirect_dma semaphore(%arg12 : memref<!tpu.dma_semaphore, #tpu.memory_space<semaphore_mem>>) src(%dma_wait3A_88 : memref<1000000x64xf32, #tpu.memory_space<hbm>>) dst(%dma_wait3A_82 : memref<128x64xf32, #tpu.memory_space<vmem>>)
    %dma_wait3A_89 = arith.constant 0 : i32
    %dma_wait3A_90 = arith.constant 0 : i32
    %dma_wait3A_91 = arith.constant 0 : i32
    %dma_wait3A_92 = tpu.memref_slice %arg10[%dma_wait3A_90, %dma_wait3A_91] : memref<512x64xf32, #tpu.memory_space<vmem>> -> memref<128x64xf32, #tpu.memory_space<vmem>>
    %dma_wait3A_93 = arith.constant 0 : i32
    %dma_wait3A_94 = tpu.memref_slice %arg8[%dma_wait3A_89, %dma_wait3A_93] : memref<4x128xi32, #tpu.memory_space<vmem>> -> memref<1x128xi32, #tpu.memory_space<vmem>>
    %dma_wait3A_95 = tpu.memref_squeeze %dma_wait3A_94 : memref<1x128xi32, #tpu.memory_space<vmem>> -> memref<128xi32, #tpu.memory_space<vmem>>
    %dma_wait3A_96 = arith.constant 0 : i32
    %dma_wait3A_97 = arith.constant 0 : i32
    %dma_wait3A_98 = tpu.memref_slice %arg5[%dma_wait3A_96, %dma_wait3A_97] : memref<1000000x64xf32, #tpu.memory_space<hbm>> -> memref<1000000x64xf32, #tpu.memory_space<hbm>>
    tpu.wait_indirect_dma semaphore(%arg12 : memref<!tpu.dma_semaphore, #tpu.memory_space<semaphore_mem>>) src(%dma_wait3A_98 : memref<1000000x64xf32, #tpu.memory_space<hbm>>) dst(%dma_wait3A_92 : memref<128x64xf32, #tpu.memory_space<vmem>>)
    %dma_wait3A_99 = arith.constant 1 : i32
    %dma_wait3A_100 = arith.constant 128 : i32
    %dma_wait3A_101 = arith.constant 0 : i32
    %dma_wait3A_102 = tpu.memref_slice %arg9[%dma_wait3A_100, %dma_wait3A_101] : memref<512x64xf32, #tpu.memory_space<vmem>> -> memref<128x64xf32, #tpu.memory_space<vmem>>
    %dma_wait3A_103 = arith.constant 0 : i32
    %dma_wait3A_104 = tpu.memref_slice %arg7[%dma_wait3A_99, %dma_wait3A_103] : memref<4x128xi32, #tpu.memory_space<vmem>> -> memref<1x128xi32, #tpu.memory_space<vmem>>
    %dma_wait3A_105 = tpu.memref_squeeze %dma_wait3A_104 : memref<1x128xi32, #tpu.memory_space<vmem>> -> memref<128xi32, #tpu.memory_space<vmem>>
    %dma_wait3A_106 = arith.constant 0 : i32
    %dma_wait3A_107 = arith.constant 0 : i32
    %dma_wait3A_108 = tpu.memref_slice %arg4[%dma_wait3A_106, %dma_wait3A_107] : memref<1000000x64xf32, #tpu.memory_space<hbm>> -> memref<1000000x64xf32, #tpu.memory_space<hbm>>
    tpu.wait_indirect_dma semaphore(%arg12 : memref<!tpu.dma_semaphore, #tpu.memory_space<semaphore_mem>>) src(%dma_wait3A_108 : memref<1000000x64xf32, #tpu.memory_space<hbm>>) dst(%dma_wait3A_102 : memref<128x64xf32, #tpu.memory_space<vmem>>)
    %dma_wait3A_109 = arith.constant 1 : i32
    %dma_wait3A_110 = arith.constant 128 : i32
    %dma_wait3A_111 = arith.constant 0 : i32
    %dma_wait3A_112 = tpu.memref_slice %arg10[%dma_wait3A_110, %dma_wait3A_111] : memref<512x64xf32, #tpu.memory_space<vmem>> -> memref<128x64xf32, #tpu.memory_space<vmem>>
    %dma_wait3A_113 = arith.constant 0 : i32
    %dma_wait3A_114 = tpu.memref_slice %arg8[%dma_wait3A_109, %dma_wait3A_113] : memref<4x128xi32, #tpu.memory_space<vmem>> -> memref<1x128xi32, #tpu.memory_space<vmem>>
    %dma_wait3A_115 = tpu.memref_squeeze %dma_wait3A_114 : memref<1x128xi32, #tpu.memory_space<vmem>> -> memref<128xi32, #tpu.memory_space<vmem>>
    %dma_wait3A_116 = arith.constant 0 : i32
    %dma_wait3A_117 = arith.constant 0 : i32
    %dma_wait3A_118 = tpu.memref_slice %arg5[%dma_wait3A_116, %dma_wait3A_117] : memref<1000000x64xf32, #tpu.memory_space<hbm>> -> memref<1000000x64xf32, #tpu.memory_space<hbm>>
    tpu.wait_indirect_dma semaphore(%arg12 : memref<!tpu.dma_semaphore, #tpu.memory_space<semaphore_mem>>) src(%dma_wait3A_118 : memref<1000000x64xf32, #tpu.memory_space<hbm>>) dst(%dma_wait3A_112 : memref<128x64xf32, #tpu.memory_space<vmem>>)
    %dma_wait3A_119 = arith.constant 2 : i32
    %dma_wait3A_120 = arith.constant 256 : i32
    %dma_wait3A_121 = arith.constant 0 : i32
    %dma_wait3A_122 = tpu.memref_slice %arg9[%dma_wait3A_120, %dma_wait3A_121] : memref<512x64xf32, #tpu.memory_space<vmem>> -> memref<128x64xf32, #tpu.memory_space<vmem>>
    %dma_wait3A_123 = arith.constant 0 : i32
    %dma_wait3A_124 = tpu.memref_slice %arg7[%dma_wait3A_119, %dma_wait3A_123] : memref<4x128xi32, #tpu.memory_space<vmem>> -> memref<1x128xi32, #tpu.memory_space<vmem>>
    %dma_wait3A_125 = tpu.memref_squeeze %dma_wait3A_124 : memref<1x128xi32, #tpu.memory_space<vmem>> -> memref<128xi32, #tpu.memory_space<vmem>>
    %dma_wait3A_126 = arith.constant 0 : i32
    %dma_wait3A_127 = arith.constant 0 : i32
    %dma_wait3A_128 = tpu.memref_slice %arg4[%dma_wait3A_126, %dma_wait3A_127] : memref<1000000x64xf32, #tpu.memory_space<hbm>> -> memref<1000000x64xf32, #tpu.memory_space<hbm>>
    tpu.wait_indirect_dma semaphore(%arg12 : memref<!tpu.dma_semaphore, #tpu.memory_space<semaphore_mem>>) src(%dma_wait3A_128 : memref<1000000x64xf32, #tpu.memory_space<hbm>>) dst(%dma_wait3A_122 : memref<128x64xf32, #tpu.memory_space<vmem>>)
    %dma_wait3A_129 = arith.constant 2 : i32
    %dma_wait3A_130 = arith.constant 256 : i32
    %dma_wait3A_131 = arith.constant 0 : i32
    %dma_wait3A_132 = tpu.memref_slice %arg10[%dma_wait3A_130, %dma_wait3A_131] : memref<512x64xf32, #tpu.memory_space<vmem>> -> memref<128x64xf32, #tpu.memory_space<vmem>>
    %dma_wait3A_133 = arith.constant 0 : i32
    %dma_wait3A_134 = tpu.memref_slice %arg8[%dma_wait3A_129, %dma_wait3A_133] : memref<4x128xi32, #tpu.memory_space<vmem>> -> memref<1x128xi32, #tpu.memory_space<vmem>>
    %dma_wait3A_135 = tpu.memref_squeeze %dma_wait3A_134 : memref<1x128xi32, #tpu.memory_space<vmem>> -> memref<128xi32, #tpu.memory_space<vmem>>
    %dma_wait3A_136 = arith.constant 0 : i32
    %dma_wait3A_137 = arith.constant 0 : i32
    %dma_wait3A_138 = tpu.memref_slice %arg5[%dma_wait3A_136, %dma_wait3A_137] : memref<1000000x64xf32, #tpu.memory_space<hbm>> -> memref<1000000x64xf32, #tpu.memory_space<hbm>>
    tpu.wait_indirect_dma semaphore(%arg12 : memref<!tpu.dma_semaphore, #tpu.memory_space<semaphore_mem>>) src(%dma_wait3A_138 : memref<1000000x64xf32, #tpu.memory_space<hbm>>) dst(%dma_wait3A_132 : memref<128x64xf32, #tpu.memory_space<vmem>>)
    %dma_wait3A_139 = arith.constant 3 : i32
    %dma_wait3A_140 = arith.constant 384 : i32
    %dma_wait3A_141 = arith.constant 0 : i32
    %dma_wait3A_142 = tpu.memref_slice %arg9[%dma_wait3A_140, %dma_wait3A_141] : memref<512x64xf32, #tpu.memory_space<vmem>> -> memref<128x64xf32, #tpu.memory_space<vmem>>
    %dma_wait3A_143 = arith.constant 0 : i32
    %dma_wait3A_144 = tpu.memref_slice %arg7[%dma_wait3A_139, %dma_wait3A_143] : memref<4x128xi32, #tpu.memory_space<vmem>> -> memref<1x128xi32, #tpu.memory_space<vmem>>
    %dma_wait3A_145 = tpu.memref_squeeze %dma_wait3A_144 : memref<1x128xi32, #tpu.memory_space<vmem>> -> memref<128xi32, #tpu.memory_space<vmem>>
    %dma_wait3A_146 = arith.constant 0 : i32
    %dma_wait3A_147 = arith.constant 0 : i32
    %dma_wait3A_148 = tpu.memref_slice %arg4[%dma_wait3A_146, %dma_wait3A_147] : memref<1000000x64xf32, #tpu.memory_space<hbm>> -> memref<1000000x64xf32, #tpu.memory_space<hbm>>
    tpu.wait_indirect_dma semaphore(%arg12 : memref<!tpu.dma_semaphore, #tpu.memory_space<semaphore_mem>>) src(%dma_wait3A_148 : memref<1000000x64xf32, #tpu.memory_space<hbm>>) dst(%dma_wait3A_142 : memref<128x64xf32, #tpu.memory_space<vmem>>)
    %dma_wait3A_149 = arith.constant 3 : i32
    %dma_wait3A_150 = arith.constant 384 : i32
    %dma_wait3A_151 = arith.constant 0 : i32
    %dma_wait3A_152 = tpu.memref_slice %arg10[%dma_wait3A_150, %dma_wait3A_151] : memref<512x64xf32, #tpu.memory_space<vmem>> -> memref<128x64xf32, #tpu.memory_space<vmem>>
    %dma_wait3A_153 = arith.constant 0 : i32
    %dma_wait3A_154 = tpu.memref_slice %arg8[%dma_wait3A_149, %dma_wait3A_153] : memref<4x128xi32, #tpu.memory_space<vmem>> -> memref<1x128xi32, #tpu.memory_space<vmem>>
    %dma_wait3A_155 = tpu.memref_squeeze %dma_wait3A_154 : memref<1x128xi32, #tpu.memory_space<vmem>> -> memref<128xi32, #tpu.memory_space<vmem>>
    %dma_wait3A_156 = arith.constant 0 : i32
    %dma_wait3A_157 = arith.constant 0 : i32
    %dma_wait3A_158 = tpu.memref_slice %arg5[%dma_wait3A_156, %dma_wait3A_157] : memref<1000000x64xf32, #tpu.memory_space<hbm>> -> memref<1000000x64xf32, #tpu.memory_space<hbm>>
    tpu.wait_indirect_dma semaphore(%arg12 : memref<!tpu.dma_semaphore, #tpu.memory_space<semaphore_mem>>) src(%dma_wait3A_158 : memref<1000000x64xf32, #tpu.memory_space<hbm>>) dst(%dma_wait3A_152 : memref<128x64xf32, #tpu.memory_space<vmem>>)
    %iota3A = tpu.iota {dimensions = array<i32: 0>} : vector<16xi32>
    %scan3A = arith.constant 0 : i32
    %scan3A_159 = arith.constant 32 : i32
    %scan3A_160 = arith.addi %scan3A, %scan3A_159 : i32
    %scan3A_161 = arith.constant 1 : i32
    scf.for %scan3A_163 = %scan3A to %scan3A_160 step %scan3A_161  : i32 {
      %mul3A_164 = arith.constant 1 : i32
      %mul3A_165 = arith.muli %scan3A_163, %mul3A_164 : i32
      %add3A_166 = arith.constant 0 : i32
      %add3A_167 = arith.addi %add3A_166, %mul3A_165 : i32
      %mul3A_168 = arith.constant 16 : i32
      %mul3A_169 = arith.muli %add3A_167, %mul3A_168 : i32
      %add3A_170 = vector.broadcast %mul3A_169 : i32 to vector<16xi32>
      %add3A_171 = arith.addi %add3A_170, %iota3A : vector<16xi32>
      %broadcast_in_dim3A = arith.constant 0.000000e+00 : f32
      %broadcast_in_dim3A_172 = vector.broadcast %broadcast_in_dim3A : f32 to vector<16xf32>
      %broadcast_in_dim3A_173 = arith.constant 0.000000e+00 : f32
      %broadcast_in_dim3A_174 = vector.broadcast %broadcast_in_dim3A_173 : f32 to vector<16xf32>
      %broadcast_in_dim3A_175 = arith.constant 0.000000e+00 : f32
      %broadcast_in_dim3A_176 = vector.broadcast %broadcast_in_dim3A_175 : f32 to vector<16xf32>
      %broadcast_in_dim3A_177 = arith.constant 0.000000e+00 : f32
      %broadcast_in_dim3A_178 = vector.broadcast %broadcast_in_dim3A_177 : f32 to vector<16xf32>
      %broadcast_in_dim3A_179 = arith.constant 0 : i32
      %broadcast_in_dim3A_180 = vector.broadcast %broadcast_in_dim3A_179 : i32 to vector<16xi32>
      %gather3A = tpu.vector_load_idx %arg9[%add3A_171, %broadcast_in_dim3A_180] : memref<512x64xf32, #tpu.memory_space<vmem>>[vector<16xi32>, vector<16xi32>], vector<16xf32>,
      %gather3A_181 = tpu.vector_load_idx %arg10[%add3A_171, %broadcast_in_dim3A_180] : memref<512x64xf32, #tpu.memory_space<vmem>>[vector<16xi32>, vector<16xi32>], vector<16xf32>,
      %mul3A_182 = arith.mulf %gather3A, %gather3A_181 : vector<16xf32>
      %add3A_183 = arith.addf %broadcast_in_dim3A_172, %mul3A_182 : vector<16xf32>
      %broadcast_in_dim3A_184 = arith.constant 1 : i32
      %broadcast_in_dim3A_185 = vector.broadcast %broadcast_in_dim3A_184 : i32 to vector<16xi32>
      %gather3A_186 = tpu.vector_load_idx %arg9[%add3A_171, %broadcast_in_dim3A_185] : memref<512x64xf32, #tpu.memory_space<vmem>>[vector<16xi32>, vector<16xi32>], vector<16xf32>,
      %gather3A_187 = tpu.vector_load_idx %arg10[%add3A_171, %broadcast_in_dim3A_185] : memref<512x64xf32, #tpu.memory_space<vmem>>[vector<16xi32>, vector<16xi32>], vector<16xf32>,
      %mul3A_188 = arith.mulf %gather3A_186, %gather3A_187 : vector<16xf32>
      %add3A_189 = arith.addf %broadcast_in_dim3A_174, %mul3A_188 : vector<16xf32>
      %broadcast_in_dim3A_190 = arith.constant 2 : i32
      %broadcast_in_dim3A_191 = vector.broadcast %broadcast_in_dim3A_190 : i32 to vector<16xi32>
      %gather3A_192 = tpu.vector_load_idx %arg9[%add3A_171, %broadcast_in_dim3A_191] : memref<512x64xf32, #tpu.memory_space<vmem>>[vector<16xi32>, vector<16xi32>], vector<16xf32>,
      %gather3A_193 = tpu.vector_load_idx %arg10[%add3A_171, %broadcast_in_dim3A_191] : memref<512x64xf32, #tpu.memory_space<vmem>>[vector<16xi32>, vector<16xi32>], vector<16xf32>,
      %mul3A_194 = arith.mulf %gather3A_192, %gather3A_193 : vector<16xf32>
      %add3A_195 = arith.addf %broadcast_in_dim3A_176, %mul3A_194 : vector<16xf32>
      %broadcast_in_dim3A_196 = arith.constant 3 : i32
      %broadcast_in_dim3A_197 = vector.broadcast %broadcast_in_dim3A_196 : i32 to vector<16xi32>
      %gather3A_198 = tpu.vector_load_idx %arg9[%add3A_171, %broadcast_in_dim3A_197] : memref<512x64xf32, #tpu.memory_space<vmem>>[vector<16xi32>, vector<16xi32>], vector<16xf32>,
      %gather3A_199 = tpu.vector_load_idx %arg10[%add3A_171, %broadcast_in_dim3A_197] : memref<512x64xf32, #tpu.memory_space<vmem>>[vector<16xi32>, vector<16xi32>], vector<16xf32>,
      %mul3A_200 = arith.mulf %gather3A_198, %gather3A_199 : vector<16xf32>
      %add3A_201 = arith.addf %broadcast_in_dim3A_178, %mul3A_200 : vector<16xf32>
      %broadcast_in_dim3A_202 = arith.constant 4 : i32
      %broadcast_in_dim3A_203 = vector.broadcast %broadcast_in_dim3A_202 : i32 to vector<16xi32>
      %gather3A_204 = tpu.vector_load_idx %arg9[%add3A_171, %broadcast_in_dim3A_203] : memref<512x64xf32, #tpu.memory_space<vmem>>[vector<16xi32>, vector<16xi32>], vector<16xf32>,
      %gather3A_205 = tpu.vector_load_idx %arg10[%add3A_171, %broadcast_in_dim3A_203] : memref<512x64xf32, #tpu.memory_space<vmem>>[vector<16xi32>, vector<16xi32>], vector<16xf32>,
      %mul3A_206 = arith.mulf %gather3A_204, %gather3A_205 : vector<16xf32>
      %add3A_207 = arith.addf %add3A_183, %mul3A_206 : vector<16xf32>
      %broadcast_in_dim3A_208 = arith.constant 5 : i32
      %broadcast_in_dim3A_209 = vector.broadcast %broadcast_in_dim3A_208 : i32 to vector<16xi32>
      %gather3A_210 = tpu.vector_load_idx %arg9[%add3A_171, %broadcast_in_dim3A_209] : memref<512x64xf32, #tpu.memory_space<vmem>>[vector<16xi32>, vector<16xi32>], vector<16xf32>,
      %gather3A_211 = tpu.vector_load_idx %arg10[%add3A_171, %broadcast_in_dim3A_209] : memref<512x64xf32, #tpu.memory_space<vmem>>[vector<16xi32>, vector<16xi32>], vector<16xf32>,
      %mul3A_212 = arith.mulf %gather3A_210, %gather3A_211 : vector<16xf32>
      %add3A_213 = arith.addf %add3A_189, %mul3A_212 : vector<16xf32>
      %broadcast_in_dim3A_214 = arith.constant 6 : i32
      %broadcast_in_dim3A_215 = vector.broadcast %broadcast_in_dim3A_214 : i32 to vector<16xi32>
      %gather3A_216 = tpu.vector_load_idx %arg9[%add3A_171, %broadcast_in_dim3A_215] : memref<512x64xf32, #tpu.memory_space<vmem>>[vector<16xi32>, vector<16xi32>], vector<16xf32>,
      %gather3A_217 = tpu.vector_load_idx %arg10[%add3A_171, %broadcast_in_dim3A_215] : memref<512x64xf32, #tpu.memory_space<vmem>>[vector<16xi32>, vector<16xi32>], vector<16xf32>,
      %mul3A_218 = arith.mulf %gather3A_216, %gather3A_217 : vector<16xf32>
      %add3A_219 = arith.addf %add3A_195, %mul3A_218 : vector<16xf32>
      %broadcast_in_dim3A_220 = arith.constant 7 : i32
      %broadcast_in_dim3A_221 = vector.broadcast %broadcast_in_dim3A_220 : i32 to vector<16xi32>
      %gather3A_222 = tpu.vector_load_idx %arg9[%add3A_171, %broadcast_in_dim3A_221] : memref<512x64xf32, #tpu.memory_space<vmem>>[vector<16xi32>, vector<16xi32>], vector<16xf32>,
      %gather3A_223 = tpu.vector_load_idx %arg10[%add3A_171, %broadcast_in_dim3A_221] : memref<512x64xf32, #tpu.memory_space<vmem>>[vector<16xi32>, vector<16xi32>], vector<16xf32>,
      %mul3A_224 = arith.mulf %gather3A_222, %gather3A_223 : vector<16xf32>
      %add3A_225 = arith.addf %add3A_201, %mul3A_224 : vector<16xf32>
      %broadcast_in_dim3A_226 = arith.constant 8 : i32
      %broadcast_in_dim3A_227 = vector.broadcast %broadcast_in_dim3A_226 : i32 to vector<16xi32>
      %gather3A_228 = tpu.vector_load_idx %arg9[%add3A_171, %broadcast_in_dim3A_227] : memref<512x64xf32, #tpu.memory_space<vmem>>[vector<16xi32>, vector<16xi32>], vector<16xf32>,
      %gather3A_229 = tpu.vector_load_idx %arg10[%add3A_171, %broadcast_in_dim3A_227] : memref<512x64xf32, #tpu.memory_space<vmem>>[vector<16xi32>, vector<16xi32>], vector<16xf32>,
      %mul3A_230 = arith.mulf %gather3A_228, %gather3A_229 : vector<16xf32>
      %add3A_231 = arith.addf %add3A_207, %mul3A_230 : vector<16xf32>
      %broadcast_in_dim3A_232 = arith.constant 9 : i32
      %broadcast_in_dim3A_233 = vector.broadcast %broadcast_in_dim3A_232 : i32 to vector<16xi32>
      %gather3A_234 = tpu.vector_load_idx %arg9[%add3A_171, %broadcast_in_dim3A_233] : memref<512x64xf32, #tpu.memory_space<vmem>>[vector<16xi32>, vector<16xi32>], vector<16xf32>,
      %gather3A_235 = tpu.vector_load_idx %arg10[%add3A_171, %broadcast_in_dim3A_233] : memref<512x64xf32, #tpu.memory_space<vmem>>[vector<16xi32>, vector<16xi32>], vector<16xf32>,
      %mul3A_236 = arith.mulf %gather3A_234, %gather3A_235 : vector<16xf32>
      %add3A_237 = arith.addf %add3A_213, %mul3A_236 : vector<16xf32>
      %broadcast_in_dim3A_238 = arith.constant 10 : i32
      %broadcast_in_dim3A_239 = vector.broadcast %broadcast_in_dim3A_238 : i32 to vector<16xi32>
      %gather3A_240 = tpu.vector_load_idx %arg9[%add3A_171, %broadcast_in_dim3A_239] : memref<512x64xf32, #tpu.memory_space<vmem>>[vector<16xi32>, vector<16xi32>], vector<16xf32>,
      %gather3A_241 = tpu.vector_load_idx %arg10[%add3A_171, %broadcast_in_dim3A_239] : memref<512x64xf32, #tpu.memory_space<vmem>>[vector<16xi32>, vector<16xi32>], vector<16xf32>,
      %mul3A_242 = arith.mulf %gather3A_240, %gather3A_241 : vector<16xf32>
      %add3A_243 = arith.addf %add3A_219, %mul3A_242 : vector<16xf32>
      %broadcast_in_dim3A_244 = arith.constant 11 : i32
      %broadcast_in_dim3A_245 = vector.broadcast %broadcast_in_dim3A_244 : i32 to vector<16xi32>
      %gather3A_246 = tpu.vector_load_idx %arg9[%add3A_171, %broadcast_in_dim3A_245] : memref<512x64xf32, #tpu.memory_space<vmem>>[vector<16xi32>, vector<16xi32>], vector<16xf32>,
      %gather3A_247 = tpu.vector_load_idx %arg10[%add3A_171, %broadcast_in_dim3A_245] : memref<512x64xf32, #tpu.memory_space<vmem>>[vector<16xi32>, vector<16xi32>], vector<16xf32>,
      %mul3A_248 = arith.mulf %gather3A_246, %gather3A_247 : vector<16xf32>
      %add3A_249 = arith.addf %add3A_225, %mul3A_248 : vector<16xf32>
      %broadcast_in_dim3A_250 = arith.constant 12 : i32
      %broadcast_in_dim3A_251 = vector.broadcast %broadcast_in_dim3A_250 : i32 to vector<16xi32>
      %gather3A_252 = tpu.vector_load_idx %arg9[%add3A_171, %broadcast_in_dim3A_251] : memref<512x64xf32, #tpu.memory_space<vmem>>[vector<16xi32>, vector<16xi32>], vector<16xf32>,
      %gather3A_253 = tpu.vector_load_idx %arg10[%add3A_171, %broadcast_in_dim3A_251] : memref<512x64xf32, #tpu.memory_space<vmem>>[vector<16xi32>, vector<16xi32>], vector<16xf32>,
      %mul3A_254 = arith.mulf %gather3A_252, %gather3A_253 : vector<16xf32>
      %add3A_255 = arith.addf %add3A_231, %mul3A_254 : vector<16xf32>
      %broadcast_in_dim3A_256 = arith.constant 13 : i32
      %broadcast_in_dim3A_257 = vector.broadcast %broadcast_in_dim3A_256 : i32 to vector<16xi32>
      %gather3A_258 = tpu.vector_load_idx %arg9[%add3A_171, %broadcast_in_dim3A_257] : memref<512x64xf32, #tpu.memory_space<vmem>>[vector<16xi32>, vector<16xi32>], vector<16xf32>,
      %gather3A_259 = tpu.vector_load_idx %arg10[%add3A_171, %broadcast_in_dim3A_257] : memref<512x64xf32, #tpu.memory_space<vmem>>[vector<16xi32>, vector<16xi32>], vector<16xf32>,
      %mul3A_260 = arith.mulf %gather3A_258, %gather3A_259 : vector<16xf32>
      %add3A_261 = arith.addf %add3A_237, %mul3A_260 : vector<16xf32>
      %broadcast_in_dim3A_262 = arith.constant 14 : i32
      %broadcast_in_dim3A_263 = vector.broadcast %broadcast_in_dim3A_262 : i32 to vector<16xi32>
      %gather3A_264 = tpu.vector_load_idx %arg9[%add3A_171, %broadcast_in_dim3A_263] : memref<512x64xf32, #tpu.memory_space<vmem>>[vector<16xi32>, vector<16xi32>], vector<16xf32>,
      %gather3A_265 = tpu.vector_load_idx %arg10[%add3A_171, %broadcast_in_dim3A_263] : memref<512x64xf32, #tpu.memory_space<vmem>>[vector<16xi32>, vector<16xi32>], vector<16xf32>,
      %mul3A_266 = arith.mulf %gather3A_264, %gather3A_265 : vector<16xf32>
      %add3A_267 = arith.addf %add3A_243, %mul3A_266 : vector<16xf32>
      %broadcast_in_dim3A_268 = arith.constant 15 : i32
      %broadcast_in_dim3A_269 = vector.broadcast %broadcast_in_dim3A_268 : i32 to vector<16xi32>
      %gather3A_270 = tpu.vector_load_idx %arg9[%add3A_171, %broadcast_in_dim3A_269] : memref<512x64xf32, #tpu.memory_space<vmem>>[vector<16xi32>, vector<16xi32>], vector<16xf32>,
      %gather3A_271 = tpu.vector_load_idx %arg10[%add3A_171, %broadcast_in_dim3A_269] : memref<512x64xf32, #tpu.memory_space<vmem>>[vector<16xi32>, vector<16xi32>], vector<16xf32>,
      %mul3A_272 = arith.mulf %gather3A_270, %gather3A_271 : vector<16xf32>
      %add3A_273 = arith.addf %add3A_249, %mul3A_272 : vector<16xf32>
      %broadcast_in_dim3A_274 = arith.constant 16 : i32
      %broadcast_in_dim3A_275 = vector.broadcast %broadcast_in_dim3A_274 : i32 to vector<16xi32>
      %gather3A_276 = tpu.vector_load_idx %arg9[%add3A_171, %broadcast_in_dim3A_275] : memref<512x64xf32, #tpu.memory_space<vmem>>[vector<16xi32>, vector<16xi32>], vector<16xf32>,
      %gather3A_277 = tpu.vector_load_idx %arg10[%add3A_171, %broadcast_in_dim3A_275] : memref<512x64xf32, #tpu.memory_space<vmem>>[vector<16xi32>, vector<16xi32>], vector<16xf32>,
      %mul3A_278 = arith.mulf %gather3A_276, %gather3A_277 : vector<16xf32>
      %add3A_279 = arith.addf %add3A_255, %mul3A_278 : vector<16xf32>
      %broadcast_in_dim3A_280 = arith.constant 17 : i32
      %broadcast_in_dim3A_281 = vector.broadcast %broadcast_in_dim3A_280 : i32 to vector<16xi32>
      %gather3A_282 = tpu.vector_load_idx %arg9[%add3A_171, %broadcast_in_dim3A_281] : memref<512x64xf32, #tpu.memory_space<vmem>>[vector<16xi32>, vector<16xi32>], vector<16xf32>,
      %gather3A_283 = tpu.vector_load_idx %arg10[%add3A_171, %broadcast_in_dim3A_281] : memref<512x64xf32, #tpu.memory_space<vmem>>[vector<16xi32>, vector<16xi32>], vector<16xf32>,
      %mul3A_284 = arith.mulf %gather3A_282, %gather3A_283 : vector<16xf32>
      %add3A_285 = arith.addf %add3A_261, %mul3A_284 : vector<16xf32>
      %broadcast_in_dim3A_286 = arith.constant 18 : i32
      %broadcast_in_dim3A_287 = vector.broadcast %broadcast_in_dim3A_286 : i32 to vector<16xi32>
      %gather3A_288 = tpu.vector_load_idx %arg9[%add3A_171, %broadcast_in_dim3A_287] : memref<512x64xf32, #tpu.memory_space<vmem>>[vector<16xi32>, vector<16xi32>], vector<16xf32>,
      %gather3A_289 = tpu.vector_load_idx %arg10[%add3A_171, %broadcast_in_dim3A_287] : memref<512x64xf32, #tpu.memory_space<vmem>>[vector<16xi32>, vector<16xi32>], vector<16xf32>,
      %mul3A_290 = arith.mulf %gather3A_288, %gather3A_289 : vector<16xf32>
      %add3A_291 = arith.addf %add3A_267, %mul3A_290 : vector<16xf32>
      %broadcast_in_dim3A_292 = arith.constant 19 : i32
      %broadcast_in_dim3A_293 = vector.broadcast %broadcast_in_dim3A_292 : i32 to vector<16xi32>
      %gather3A_294 = tpu.vector_load_idx %arg9[%add3A_171, %broadcast_in_dim3A_293] : memref<512x64xf32, #tpu.memory_space<vmem>>[vector<16xi32>, vector<16xi32>], vector<16xf32>,
      %gather3A_295 = tpu.vector_load_idx %arg10[%add3A_171, %broadcast_in_dim3A_293] : memref<512x64xf32, #tpu.memory_space<vmem>>[vector<16xi32>, vector<16xi32>], vector<16xf32>,
      %mul3A_296 = arith.mulf %gather3A_294, %gather3A_295 : vector<16xf32>
      %add3A_297 = arith.addf %add3A_273, %mul3A_296 : vector<16xf32>
      %broadcast_in_dim3A_298 = arith.constant 20 : i32
      %broadcast_in_dim3A_299 = vector.broadcast %broadcast_in_dim3A_298 : i32 to vector<16xi32>
      %gather3A_300 = tpu.vector_load_idx %arg9[%add3A_171, %broadcast_in_dim3A_299] : memref<512x64xf32, #tpu.memory_space<vmem>>[vector<16xi32>, vector<16xi32>], vector<16xf32>,
      %gather3A_301 = tpu.vector_load_idx %arg10[%add3A_171, %broadcast_in_dim3A_299] : memref<512x64xf32, #tpu.memory_space<vmem>>[vector<16xi32>, vector<16xi32>], vector<16xf32>,
      %mul3A_302 = arith.mulf %gather3A_300, %gather3A_301 : vector<16xf32>
      %add3A_303 = arith.addf %add3A_279, %mul3A_302 : vector<16xf32>
      %broadcast_in_dim3A_304 = arith.constant 21 : i32
      %broadcast_in_dim3A_305 = vector.broadcast %broadcast_in_dim3A_304 : i32 to vector<16xi32>
      %gather3A_306 = tpu.vector_load_idx %arg9[%add3A_171, %broadcast_in_dim3A_305] : memref<512x64xf32, #tpu.memory_space<vmem>>[vector<16xi32>, vector<16xi32>], vector<16xf32>,
      %gather3A_307 = tpu.vector_load_idx %arg10[%add3A_171, %broadcast_in_dim3A_305] : memref<512x64xf32, #tpu.memory_space<vmem>>[vector<16xi32>, vector<16xi32>], vector<16xf32>,
      %mul3A_308 = arith.mulf %gather3A_306, %gather3A_307 : vector<16xf32>
      %add3A_309 = arith.addf %add3A_285, %mul3A_308 : vector<16xf32>
      %broadcast_in_dim3A_310 = arith.constant 22 : i32
      %broadcast_in_dim3A_311 = vector.broadcast %broadcast_in_dim3A_310 : i32 to vector<16xi32>
      %gather3A_312 = tpu.vector_load_idx %arg9[%add3A_171, %broadcast_in_dim3A_311] : memref<512x64xf32, #tpu.memory_space<vmem>>[vector<16xi32>, vector<16xi32>], vector<16xf32>,
      %gather3A_313 = tpu.vector_load_idx %arg10[%add3A_171, %broadcast_in_dim3A_311] : memref<512x64xf32, #tpu.memory_space<vmem>>[vector<16xi32>, vector<16xi32>], vector<16xf32>,
      %mul3A_314 = arith.mulf %gather3A_312, %gather3A_313 : vector<16xf32>
      %add3A_315 = arith.addf %add3A_291, %mul3A_314 : vector<16xf32>
      %broadcast_in_dim3A_316 = arith.constant 23 : i32
      %broadcast_in_dim3A_317 = vector.broadcast %broadcast_in_dim3A_316 : i32 to vector<16xi32>
      %gather3A_318 = tpu.vector_load_idx %arg9[%add3A_171, %broadcast_in_dim3A_317] : memref<512x64xf32, #tpu.memory_space<vmem>>[vector<16xi32>, vector<16xi32>], vector<16xf32>,
      %gather3A_319 = tpu.vector_load_idx %arg10[%add3A_171, %broadcast_in_dim3A_317] : memref<512x64xf32, #tpu.memory_space<vmem>>[vector<16xi32>, vector<16xi32>], vector<16xf32>,
      %mul3A_320 = arith.mulf %gather3A_318, %gather3A_319 : vector<16xf32>
      %add3A_321 = arith.addf %add3A_297, %mul3A_320 : vector<16xf32>
      %broadcast_in_dim3A_322 = arith.constant 24 : i32
      %broadcast_in_dim3A_323 = vector.broadcast %broadcast_in_dim3A_322 : i32 to vector<16xi32>
      %gather3A_324 = tpu.vector_load_idx %arg9[%add3A_171, %broadcast_in_dim3A_323] : memref<512x64xf32, #tpu.memory_space<vmem>>[vector<16xi32>, vector<16xi32>], vector<16xf32>,
      %gather3A_325 = tpu.vector_load_idx %arg10[%add3A_171, %broadcast_in_dim3A_323] : memref<512x64xf32, #tpu.memory_space<vmem>>[vector<16xi32>, vector<16xi32>], vector<16xf32>,
      %mul3A_326 = arith.mulf %gather3A_324, %gather3A_325 : vector<16xf32>
      %add3A_327 = arith.addf %add3A_303, %mul3A_326 : vector<16xf32>
      %broadcast_in_dim3A_328 = arith.constant 25 : i32
      %broadcast_in_dim3A_329 = vector.broadcast %broadcast_in_dim3A_328 : i32 to vector<16xi32>
      %gather3A_330 = tpu.vector_load_idx %arg9[%add3A_171, %broadcast_in_dim3A_329] : memref<512x64xf32, #tpu.memory_space<vmem>>[vector<16xi32>, vector<16xi32>], vector<16xf32>,
      %gather3A_331 = tpu.vector_load_idx %arg10[%add3A_171, %broadcast_in_dim3A_329] : memref<512x64xf32, #tpu.memory_space<vmem>>[vector<16xi32>, vector<16xi32>], vector<16xf32>,
      %mul3A_332 = arith.mulf %gather3A_330, %gather3A_331 : vector<16xf32>
      %add3A_333 = arith.addf %add3A_309, %mul3A_332 : vector<16xf32>
      %broadcast_in_dim3A_334 = arith.constant 26 : i32
      %broadcast_in_dim3A_335 = vector.broadcast %broadcast_in_dim3A_334 : i32 to vector<16xi32>
      %gather3A_336 = tpu.vector_load_idx %arg9[%add3A_171, %broadcast_in_dim3A_335] : memref<512x64xf32, #tpu.memory_space<vmem>>[vector<16xi32>, vector<16xi32>], vector<16xf32>,
      %gather3A_337 = tpu.vector_load_idx %arg10[%add3A_171, %broadcast_in_dim3A_335] : memref<512x64xf32, #tpu.memory_space<vmem>>[vector<16xi32>, vector<16xi32>], vector<16xf32>,
      %mul3A_338 = arith.mulf %gather3A_336, %gather3A_337 : vector<16xf32>
      %add3A_339 = arith.addf %add3A_315, %mul3A_338 : vector<16xf32>
      %broadcast_in_dim3A_340 = arith.constant 27 : i32
      %broadcast_in_dim3A_341 = vector.broadcast %broadcast_in_dim3A_340 : i32 to vector<16xi32>
      %gather3A_342 = tpu.vector_load_idx %arg9[%add3A_171, %broadcast_in_dim3A_341] : memref<512x64xf32, #tpu.memory_space<vmem>>[vector<16xi32>, vector<16xi32>], vector<16xf32>,
      %gather3A_343 = tpu.vector_load_idx %arg10[%add3A_171, %broadcast_in_dim3A_341] : memref<512x64xf32, #tpu.memory_space<vmem>>[vector<16xi32>, vector<16xi32>], vector<16xf32>,
      %mul3A_344 = arith.mulf %gather3A_342, %gather3A_343 : vector<16xf32>
      %add3A_345 = arith.addf %add3A_321, %mul3A_344 : vector<16xf32>
      %broadcast_in_dim3A_346 = arith.constant 28 : i32
      %broadcast_in_dim3A_347 = vector.broadcast %broadcast_in_dim3A_346 : i32 to vector<16xi32>
      %gather3A_348 = tpu.vector_load_idx %arg9[%add3A_171, %broadcast_in_dim3A_347] : memref<512x64xf32, #tpu.memory_space<vmem>>[vector<16xi32>, vector<16xi32>], vector<16xf32>,
      %gather3A_349 = tpu.vector_load_idx %arg10[%add3A_171, %broadcast_in_dim3A_347] : memref<512x64xf32, #tpu.memory_space<vmem>>[vector<16xi32>, vector<16xi32>], vector<16xf32>,
      %mul3A_350 = arith.mulf %gather3A_348, %gather3A_349 : vector<16xf32>
      %add3A_351 = arith.addf %add3A_327, %mul3A_350 : vector<16xf32>
      %broadcast_in_dim3A_352 = arith.constant 29 : i32
      %broadcast_in_dim3A_353 = vector.broadcast %broadcast_in_dim3A_352 : i32 to vector<16xi32>
      %gather3A_354 = tpu.vector_load_idx %arg9[%add3A_171, %broadcast_in_dim3A_353] : memref<512x64xf32, #tpu.memory_space<vmem>>[vector<16xi32>, vector<16xi32>], vector<16xf32>,
      %gather3A_355 = tpu.vector_load_idx %arg10[%add3A_171, %broadcast_in_dim3A_353] : memref<512x64xf32, #tpu.memory_space<vmem>>[vector<16xi32>, vector<16xi32>], vector<16xf32>,
      %mul3A_356 = arith.mulf %gather3A_354, %gather3A_355 : vector<16xf32>
      %add3A_357 = arith.addf %add3A_333, %mul3A_356 : vector<16xf32>
      %broadcast_in_dim3A_358 = arith.constant 30 : i32
      %broadcast_in_dim3A_359 = vector.broadcast %broadcast_in_dim3A_358 : i32 to vector<16xi32>
      %gather3A_360 = tpu.vector_load_idx %arg9[%add3A_171, %broadcast_in_dim3A_359] : memref<512x64xf32, #tpu.memory_space<vmem>>[vector<16xi32>, vector<16xi32>], vector<16xf32>,
      %gather3A_361 = tpu.vector_load_idx %arg10[%add3A_171, %broadcast_in_dim3A_359] : memref<512x64xf32, #tpu.memory_space<vmem>>[vector<16xi32>, vector<16xi32>], vector<16xf32>,
      %mul3A_362 = arith.mulf %gather3A_360, %gather3A_361 : vector<16xf32>
      %add3A_363 = arith.addf %add3A_339, %mul3A_362 : vector<16xf32>
      %broadcast_in_dim3A_364 = arith.constant 31 : i32
      %broadcast_in_dim3A_365 = vector.broadcast %broadcast_in_dim3A_364 : i32 to vector<16xi32>
      %gather3A_366 = tpu.vector_load_idx %arg9[%add3A_171, %broadcast_in_dim3A_365] : memref<512x64xf32, #tpu.memory_space<vmem>>[vector<16xi32>, vector<16xi32>], vector<16xf32>,
      %gather3A_367 = tpu.vector_load_idx %arg10[%add3A_171, %broadcast_in_dim3A_365] : memref<512x64xf32, #tpu.memory_space<vmem>>[vector<16xi32>, vector<16xi32>], vector<16xf32>,
      %mul3A_368 = arith.mulf %gather3A_366, %gather3A_367 : vector<16xf32>
      %add3A_369 = arith.addf %add3A_345, %mul3A_368 : vector<16xf32>
      %broadcast_in_dim3A_370 = arith.constant 32 : i32
      %broadcast_in_dim3A_371 = vector.broadcast %broadcast_in_dim3A_370 : i32 to vector<16xi32>
      %gather3A_372 = tpu.vector_load_idx %arg9[%add3A_171, %broadcast_in_dim3A_371] : memref<512x64xf32, #tpu.memory_space<vmem>>[vector<16xi32>, vector<16xi32>], vector<16xf32>,
      %gather3A_373 = tpu.vector_load_idx %arg10[%add3A_171, %broadcast_in_dim3A_371] : memref<512x64xf32, #tpu.memory_space<vmem>>[vector<16xi32>, vector<16xi32>], vector<16xf32>,
      %mul3A_374 = arith.mulf %gather3A_372, %gather3A_373 : vector<16xf32>
      %add3A_375 = arith.addf %add3A_351, %mul3A_374 : vector<16xf32>
      %broadcast_in_dim3A_376 = arith.constant 33 : i32
      %broadcast_in_dim3A_377 = vector.broadcast %broadcast_in_dim3A_376 : i32 to vector<16xi32>
      %gather3A_378 = tpu.vector_load_idx %arg9[%add3A_171, %broadcast_in_dim3A_377] : memref<512x64xf32, #tpu.memory_space<vmem>>[vector<16xi32>, vector<16xi32>], vector<16xf32>,
      %gather3A_379 = tpu.vector_load_idx %arg10[%add3A_171, %broadcast_in_dim3A_377] : memref<512x64xf32, #tpu.memory_space<vmem>>[vector<16xi32>, vector<16xi32>], vector<16xf32>,
      %mul3A_380 = arith.mulf %gather3A_378, %gather3A_379 : vector<16xf32>
      %add3A_381 = arith.addf %add3A_357, %mul3A_380 : vector<16xf32>
      %broadcast_in_dim3A_382 = arith.constant 34 : i32
      %broadcast_in_dim3A_383 = vector.broadcast %broadcast_in_dim3A_382 : i32 to vector<16xi32>
      %gather3A_384 = tpu.vector_load_idx %arg9[%add3A_171, %broadcast_in_dim3A_383] : memref<512x64xf32, #tpu.memory_space<vmem>>[vector<16xi32>, vector<16xi32>], vector<16xf32>,
      %gather3A_385 = tpu.vector_load_idx %arg10[%add3A_171, %broadcast_in_dim3A_383] : memref<512x64xf32, #tpu.memory_space<vmem>>[vector<16xi32>, vector<16xi32>], vector<16xf32>,
      %mul3A_386 = arith.mulf %gather3A_384, %gather3A_385 : vector<16xf32>
      %add3A_387 = arith.addf %add3A_363, %mul3A_386 : vector<16xf32>
      %broadcast_in_dim3A_388 = arith.constant 35 : i32
      %broadcast_in_dim3A_389 = vector.broadcast %broadcast_in_dim3A_388 : i32 to vector<16xi32>
      %gather3A_390 = tpu.vector_load_idx %arg9[%add3A_171, %broadcast_in_dim3A_389] : memref<512x64xf32, #tpu.memory_space<vmem>>[vector<16xi32>, vector<16xi32>], vector<16xf32>,
      %gather3A_391 = tpu.vector_load_idx %arg10[%add3A_171, %broadcast_in_dim3A_389] : memref<512x64xf32, #tpu.memory_space<vmem>>[vector<16xi32>, vector<16xi32>], vector<16xf32>,
      %mul3A_392 = arith.mulf %gather3A_390, %gather3A_391 : vector<16xf32>
      %add3A_393 = arith.addf %add3A_369, %mul3A_392 : vector<16xf32>
      %broadcast_in_dim3A_394 = arith.constant 36 : i32
      %broadcast_in_dim3A_395 = vector.broadcast %broadcast_in_dim3A_394 : i32 to vector<16xi32>
      %gather3A_396 = tpu.vector_load_idx %arg9[%add3A_171, %broadcast_in_dim3A_395] : memref<512x64xf32, #tpu.memory_space<vmem>>[vector<16xi32>, vector<16xi32>], vector<16xf32>,
      %gather3A_397 = tpu.vector_load_idx %arg10[%add3A_171, %broadcast_in_dim3A_395] : memref<512x64xf32, #tpu.memory_space<vmem>>[vector<16xi32>, vector<16xi32>], vector<16xf32>,
      %mul3A_398 = arith.mulf %gather3A_396, %gather3A_397 : vector<16xf32>
      %add3A_399 = arith.addf %add3A_375, %mul3A_398 : vector<16xf32>
      %broadcast_in_dim3A_400 = arith.constant 37 : i32
      %broadcast_in_dim3A_401 = vector.broadcast %broadcast_in_dim3A_400 : i32 to vector<16xi32>
      %gather3A_402 = tpu.vector_load_idx %arg9[%add3A_171, %broadcast_in_dim3A_401] : memref<512x64xf32, #tpu.memory_space<vmem>>[vector<16xi32>, vector<16xi32>], vector<16xf32>,
      %gather3A_403 = tpu.vector_load_idx %arg10[%add3A_171, %broadcast_in_dim3A_401] : memref<512x64xf32, #tpu.memory_space<vmem>>[vector<16xi32>, vector<16xi32>], vector<16xf32>,
      %mul3A_404 = arith.mulf %gather3A_402, %gather3A_403 : vector<16xf32>
      %add3A_405 = arith.addf %add3A_381, %mul3A_404 : vector<16xf32>
      %broadcast_in_dim3A_406 = arith.constant 38 : i32
      %broadcast_in_dim3A_407 = vector.broadcast %broadcast_in_dim3A_406 : i32 to vector<16xi32>
      %gather3A_408 = tpu.vector_load_idx %arg9[%add3A_171, %broadcast_in_dim3A_407] : memref<512x64xf32, #tpu.memory_space<vmem>>[vector<16xi32>, vector<16xi32>], vector<16xf32>,
      %gather3A_409 = tpu.vector_load_idx %arg10[%add3A_171, %broadcast_in_dim3A_407] : memref<512x64xf32, #tpu.memory_space<vmem>>[vector<16xi32>, vector<16xi32>], vector<16xf32>,
      %mul3A_410 = arith.mulf %gather3A_408, %gather3A_409 : vector<16xf32>
      %add3A_411 = arith.addf %add3A_387, %mul3A_410 : vector<16xf32>
      %broadcast_in_dim3A_412 = arith.constant 39 : i32
      %broadcast_in_dim3A_413 = vector.broadcast %broadcast_in_dim3A_412 : i32 to vector<16xi32>
      %gather3A_414 = tpu.vector_load_idx %arg9[%add3A_171, %broadcast_in_dim3A_413] : memref<512x64xf32, #tpu.memory_space<vmem>>[vector<16xi32>, vector<16xi32>], vector<16xf32>,
      %gather3A_415 = tpu.vector_load_idx %arg10[%add3A_171, %broadcast_in_dim3A_413] : memref<512x64xf32, #tpu.memory_space<vmem>>[vector<16xi32>, vector<16xi32>], vector<16xf32>,
      %mul3A_416 = arith.mulf %gather3A_414, %gather3A_415 : vector<16xf32>
      %add3A_417 = arith.addf %add3A_393, %mul3A_416 : vector<16xf32>
      %broadcast_in_dim3A_418 = arith.constant 40 : i32
      %broadcast_in_dim3A_419 = vector.broadcast %broadcast_in_dim3A_418 : i32 to vector<16xi32>
      %gather3A_420 = tpu.vector_load_idx %arg9[%add3A_171, %broadcast_in_dim3A_419] : memref<512x64xf32, #tpu.memory_space<vmem>>[vector<16xi32>, vector<16xi32>], vector<16xf32>,
      %gather3A_421 = tpu.vector_load_idx %arg10[%add3A_171, %broadcast_in_dim3A_419] : memref<512x64xf32, #tpu.memory_space<vmem>>[vector<16xi32>, vector<16xi32>], vector<16xf32>,
      %mul3A_422 = arith.mulf %gather3A_420, %gather3A_421 : vector<16xf32>
      %add3A_423 = arith.addf %add3A_399, %mul3A_422 : vector<16xf32>
      %broadcast_in_dim3A_424 = arith.constant 41 : i32
      %broadcast_in_dim3A_425 = vector.broadcast %broadcast_in_dim3A_424 : i32 to vector<16xi32>
      %gather3A_426 = tpu.vector_load_idx %arg9[%add3A_171, %broadcast_in_dim3A_425] : memref<512x64xf32, #tpu.memory_space<vmem>>[vector<16xi32>, vector<16xi32>], vector<16xf32>,
      %gather3A_427 = tpu.vector_load_idx %arg10[%add3A_171, %broadcast_in_dim3A_425] : memref<512x64xf32, #tpu.memory_space<vmem>>[vector<16xi32>, vector<16xi32>], vector<16xf32>,
      %mul3A_428 = arith.mulf %gather3A_426, %gather3A_427 : vector<16xf32>
      %add3A_429 = arith.addf %add3A_405, %mul3A_428 : vector<16xf32>
      %broadcast_in_dim3A_430 = arith.constant 42 : i32
      %broadcast_in_dim3A_431 = vector.broadcast %broadcast_in_dim3A_430 : i32 to vector<16xi32>
      %gather3A_432 = tpu.vector_load_idx %arg9[%add3A_171, %broadcast_in_dim3A_431] : memref<512x64xf32, #tpu.memory_space<vmem>>[vector<16xi32>, vector<16xi32>], vector<16xf32>,
      %gather3A_433 = tpu.vector_load_idx %arg10[%add3A_171, %broadcast_in_dim3A_431] : memref<512x64xf32, #tpu.memory_space<vmem>>[vector<16xi32>, vector<16xi32>], vector<16xf32>,
      %mul3A_434 = arith.mulf %gather3A_432, %gather3A_433 : vector<16xf32>
      %add3A_435 = arith.addf %add3A_411, %mul3A_434 : vector<16xf32>
      %broadcast_in_dim3A_436 = arith.constant 43 : i32
      %broadcast_in_dim3A_437 = vector.broadcast %broadcast_in_dim3A_436 : i32 to vector<16xi32>
      %gather3A_438 = tpu.vector_load_idx %arg9[%add3A_171, %broadcast_in_dim3A_437] : memref<512x64xf32, #tpu.memory_space<vmem>>[vector<16xi32>, vector<16xi32>], vector<16xf32>,
      %gather3A_439 = tpu.vector_load_idx %arg10[%add3A_171, %broadcast_in_dim3A_437] : memref<512x64xf32, #tpu.memory_space<vmem>>[vector<16xi32>, vector<16xi32>], vector<16xf32>,
      %mul3A_440 = arith.mulf %gather3A_438, %gather3A_439 : vector<16xf32>
      %add3A_441 = arith.addf %add3A_417, %mul3A_440 : vector<16xf32>
      %broadcast_in_dim3A_442 = arith.constant 44 : i32
      %broadcast_in_dim3A_443 = vector.broadcast %broadcast_in_dim3A_442 : i32 to vector<16xi32>
      %gather3A_444 = tpu.vector_load_idx %arg9[%add3A_171, %broadcast_in_dim3A_443] : memref<512x64xf32, #tpu.memory_space<vmem>>[vector<16xi32>, vector<16xi32>], vector<16xf32>,
      %gather3A_445 = tpu.vector_load_idx %arg10[%add3A_171, %broadcast_in_dim3A_443] : memref<512x64xf32, #tpu.memory_space<vmem>>[vector<16xi32>, vector<16xi32>], vector<16xf32>,
      %mul3A_446 = arith.mulf %gather3A_444, %gather3A_445 : vector<16xf32>
      %add3A_447 = arith.addf %add3A_423, %mul3A_446 : vector<16xf32>
      %broadcast_in_dim3A_448 = arith.constant 45 : i32
      %broadcast_in_dim3A_449 = vector.broadcast %broadcast_in_dim3A_448 : i32 to vector<16xi32>
      %gather3A_450 = tpu.vector_load_idx %arg9[%add3A_171, %broadcast_in_dim3A_449] : memref<512x64xf32, #tpu.memory_space<vmem>>[vector<16xi32>, vector<16xi32>], vector<16xf32>,
      %gather3A_451 = tpu.vector_load_idx %arg10[%add3A_171, %broadcast_in_dim3A_449] : memref<512x64xf32, #tpu.memory_space<vmem>>[vector<16xi32>, vector<16xi32>], vector<16xf32>,
      %mul3A_452 = arith.mulf %gather3A_450, %gather3A_451 : vector<16xf32>
      %add3A_453 = arith.addf %add3A_429, %mul3A_452 : vector<16xf32>
      %broadcast_in_dim3A_454 = arith.constant 46 : i32
      %broadcast_in_dim3A_455 = vector.broadcast %broadcast_in_dim3A_454 : i32 to vector<16xi32>
      %gather3A_456 = tpu.vector_load_idx %arg9[%add3A_171, %broadcast_in_dim3A_455] : memref<512x64xf32, #tpu.memory_space<vmem>>[vector<16xi32>, vector<16xi32>], vector<16xf32>,
      %gather3A_457 = tpu.vector_load_idx %arg10[%add3A_171, %broadcast_in_dim3A_455] : memref<512x64xf32, #tpu.memory_space<vmem>>[vector<16xi32>, vector<16xi32>], vector<16xf32>,
      %mul3A_458 = arith.mulf %gather3A_456, %gather3A_457 : vector<16xf32>
      %add3A_459 = arith.addf %add3A_435, %mul3A_458 : vector<16xf32>
      %broadcast_in_dim3A_460 = arith.constant 47 : i32
      %broadcast_in_dim3A_461 = vector.broadcast %broadcast_in_dim3A_460 : i32 to vector<16xi32>
      %gather3A_462 = tpu.vector_load_idx %arg9[%add3A_171, %broadcast_in_dim3A_461] : memref<512x64xf32, #tpu.memory_space<vmem>>[vector<16xi32>, vector<16xi32>], vector<16xf32>,
      %gather3A_463 = tpu.vector_load_idx %arg10[%add3A_171, %broadcast_in_dim3A_461] : memref<512x64xf32, #tpu.memory_space<vmem>>[vector<16xi32>, vector<16xi32>], vector<16xf32>,
      %mul3A_464 = arith.mulf %gather3A_462, %gather3A_463 : vector<16xf32>
      %add3A_465 = arith.addf %add3A_441, %mul3A_464 : vector<16xf32>
      %broadcast_in_dim3A_466 = arith.constant 48 : i32
      %broadcast_in_dim3A_467 = vector.broadcast %broadcast_in_dim3A_466 : i32 to vector<16xi32>
      %gather3A_468 = tpu.vector_load_idx %arg9[%add3A_171, %broadcast_in_dim3A_467] : memref<512x64xf32, #tpu.memory_space<vmem>>[vector<16xi32>, vector<16xi32>], vector<16xf32>,
      %gather3A_469 = tpu.vector_load_idx %arg10[%add3A_171, %broadcast_in_dim3A_467] : memref<512x64xf32, #tpu.memory_space<vmem>>[vector<16xi32>, vector<16xi32>], vector<16xf32>,
      %mul3A_470 = arith.mulf %gather3A_468, %gather3A_469 : vector<16xf32>
      %add3A_471 = arith.addf %add3A_447, %mul3A_470 : vector<16xf32>
      %broadcast_in_dim3A_472 = arith.constant 49 : i32
      %broadcast_in_dim3A_473 = vector.broadcast %broadcast_in_dim3A_472 : i32 to vector<16xi32>
      %gather3A_474 = tpu.vector_load_idx %arg9[%add3A_171, %broadcast_in_dim3A_473] : memref<512x64xf32, #tpu.memory_space<vmem>>[vector<16xi32>, vector<16xi32>], vector<16xf32>,
      %gather3A_475 = tpu.vector_load_idx %arg10[%add3A_171, %broadcast_in_dim3A_473] : memref<512x64xf32, #tpu.memory_space<vmem>>[vector<16xi32>, vector<16xi32>], vector<16xf32>,
      %mul3A_476 = arith.mulf %gather3A_474, %gather3A_475 : vector<16xf32>
      %add3A_477 = arith.addf %add3A_453, %mul3A_476 : vector<16xf32>
      %broadcast_in_dim3A_478 = arith.constant 50 : i32
      %broadcast_in_dim3A_479 = vector.broadcast %broadcast_in_dim3A_478 : i32 to vector<16xi32>
      %gather3A_480 = tpu.vector_load_idx %arg9[%add3A_171, %broadcast_in_dim3A_479] : memref<512x64xf32, #tpu.memory_space<vmem>>[vector<16xi32>, vector<16xi32>], vector<16xf32>,
      %gather3A_481 = tpu.vector_load_idx %arg10[%add3A_171, %broadcast_in_dim3A_479] : memref<512x64xf32, #tpu.memory_space<vmem>>[vector<16xi32>, vector<16xi32>], vector<16xf32>,
      %mul3A_482 = arith.mulf %gather3A_480, %gather3A_481 : vector<16xf32>
      %add3A_483 = arith.addf %add3A_459, %mul3A_482 : vector<16xf32>
      %broadcast_in_dim3A_484 = arith.constant 51 : i32
      %broadcast_in_dim3A_485 = vector.broadcast %broadcast_in_dim3A_484 : i32 to vector<16xi32>
      %gather3A_486 = tpu.vector_load_idx %arg9[%add3A_171, %broadcast_in_dim3A_485] : memref<512x64xf32, #tpu.memory_space<vmem>>[vector<16xi32>, vector<16xi32>], vector<16xf32>,
      %gather3A_487 = tpu.vector_load_idx %arg10[%add3A_171, %broadcast_in_dim3A_485] : memref<512x64xf32, #tpu.memory_space<vmem>>[vector<16xi32>, vector<16xi32>], vector<16xf32>,
      %mul3A_488 = arith.mulf %gather3A_486, %gather3A_487 : vector<16xf32>
      %add3A_489 = arith.addf %add3A_465, %mul3A_488 : vector<16xf32>
      %broadcast_in_dim3A_490 = arith.constant 52 : i32
      %broadcast_in_dim3A_491 = vector.broadcast %broadcast_in_dim3A_490 : i32 to vector<16xi32>
      %gather3A_492 = tpu.vector_load_idx %arg9[%add3A_171, %broadcast_in_dim3A_491] : memref<512x64xf32, #tpu.memory_space<vmem>>[vector<16xi32>, vector<16xi32>], vector<16xf32>,
      %gather3A_493 = tpu.vector_load_idx %arg10[%add3A_171, %broadcast_in_dim3A_491] : memref<512x64xf32, #tpu.memory_space<vmem>>[vector<16xi32>, vector<16xi32>], vector<16xf32>,
      %mul3A_494 = arith.mulf %gather3A_492, %gather3A_493 : vector<16xf32>
      %add3A_495 = arith.addf %add3A_471, %mul3A_494 : vector<16xf32>
      %broadcast_in_dim3A_496 = arith.constant 53 : i32
      %broadcast_in_dim3A_497 = vector.broadcast %broadcast_in_dim3A_496 : i32 to vector<16xi32>
      %gather3A_498 = tpu.vector_load_idx %arg9[%add3A_171, %broadcast_in_dim3A_497] : memref<512x64xf32, #tpu.memory_space<vmem>>[vector<16xi32>, vector<16xi32>], vector<16xf32>,
      %gather3A_499 = tpu.vector_load_idx %arg10[%add3A_171, %broadcast_in_dim3A_497] : memref<512x64xf32, #tpu.memory_space<vmem>>[vector<16xi32>, vector<16xi32>], vector<16xf32>,
      %mul3A_500 = arith.mulf %gather3A_498, %gather3A_499 : vector<16xf32>
      %add3A_501 = arith.addf %add3A_477, %mul3A_500 : vector<16xf32>
      %broadcast_in_dim3A_502 = arith.constant 54 : i32
      %broadcast_in_dim3A_503 = vector.broadcast %broadcast_in_dim3A_502 : i32 to vector<16xi32>
      %gather3A_504 = tpu.vector_load_idx %arg9[%add3A_171, %broadcast_in_dim3A_503] : memref<512x64xf32, #tpu.memory_space<vmem>>[vector<16xi32>, vector<16xi32>], vector<16xf32>,
      %gather3A_505 = tpu.vector_load_idx %arg10[%add3A_171, %broadcast_in_dim3A_503] : memref<512x64xf32, #tpu.memory_space<vmem>>[vector<16xi32>, vector<16xi32>], vector<16xf32>,
      %mul3A_506 = arith.mulf %gather3A_504, %gather3A_505 : vector<16xf32>
      %add3A_507 = arith.addf %add3A_483, %mul3A_506 : vector<16xf32>
      %broadcast_in_dim3A_508 = arith.constant 55 : i32
      %broadcast_in_dim3A_509 = vector.broadcast %broadcast_in_dim3A_508 : i32 to vector<16xi32>
      %gather3A_510 = tpu.vector_load_idx %arg9[%add3A_171, %broadcast_in_dim3A_509] : memref<512x64xf32, #tpu.memory_space<vmem>>[vector<16xi32>, vector<16xi32>], vector<16xf32>,
      %gather3A_511 = tpu.vector_load_idx %arg10[%add3A_171, %broadcast_in_dim3A_509] : memref<512x64xf32, #tpu.memory_space<vmem>>[vector<16xi32>, vector<16xi32>], vector<16xf32>,
      %mul3A_512 = arith.mulf %gather3A_510, %gather3A_511 : vector<16xf32>
      %add3A_513 = arith.addf %add3A_489, %mul3A_512 : vector<16xf32>
      %broadcast_in_dim3A_514 = arith.constant 56 : i32
      %broadcast_in_dim3A_515 = vector.broadcast %broadcast_in_dim3A_514 : i32 to vector<16xi32>
      %gather3A_516 = tpu.vector_load_idx %arg9[%add3A_171, %broadcast_in_dim3A_515] : memref<512x64xf32, #tpu.memory_space<vmem>>[vector<16xi32>, vector<16xi32>], vector<16xf32>,
      %gather3A_517 = tpu.vector_load_idx %arg10[%add3A_171, %broadcast_in_dim3A_515] : memref<512x64xf32, #tpu.memory_space<vmem>>[vector<16xi32>, vector<16xi32>], vector<16xf32>,
      %mul3A_518 = arith.mulf %gather3A_516, %gather3A_517 : vector<16xf32>
      %add3A_519 = arith.addf %add3A_495, %mul3A_518 : vector<16xf32>
      %broadcast_in_dim3A_520 = arith.constant 57 : i32
      %broadcast_in_dim3A_521 = vector.broadcast %broadcast_in_dim3A_520 : i32 to vector<16xi32>
      %gather3A_522 = tpu.vector_load_idx %arg9[%add3A_171, %broadcast_in_dim3A_521] : memref<512x64xf32, #tpu.memory_space<vmem>>[vector<16xi32>, vector<16xi32>], vector<16xf32>,
      %gather3A_523 = tpu.vector_load_idx %arg10[%add3A_171, %broadcast_in_dim3A_521] : memref<512x64xf32, #tpu.memory_space<vmem>>[vector<16xi32>, vector<16xi32>], vector<16xf32>,
      %mul3A_524 = arith.mulf %gather3A_522, %gather3A_523 : vector<16xf32>
      %add3A_525 = arith.addf %add3A_501, %mul3A_524 : vector<16xf32>
      %broadcast_in_dim3A_526 = arith.constant 58 : i32
      %broadcast_in_dim3A_527 = vector.broadcast %broadcast_in_dim3A_526 : i32 to vector<16xi32>
      %gather3A_528 = tpu.vector_load_idx %arg9[%add3A_171, %broadcast_in_dim3A_527] : memref<512x64xf32, #tpu.memory_space<vmem>>[vector<16xi32>, vector<16xi32>], vector<16xf32>,
      %gather3A_529 = tpu.vector_load_idx %arg10[%add3A_171, %broadcast_in_dim3A_527] : memref<512x64xf32, #tpu.memory_space<vmem>>[vector<16xi32>, vector<16xi32>], vector<16xf32>,
      %mul3A_530 = arith.mulf %gather3A_528, %gather3A_529 : vector<16xf32>
      %add3A_531 = arith.addf %add3A_507, %mul3A_530 : vector<16xf32>
      %broadcast_in_dim3A_532 = arith.constant 59 : i32
      %broadcast_in_dim3A_533 = vector.broadcast %broadcast_in_dim3A_532 : i32 to vector<16xi32>
      %gather3A_534 = tpu.vector_load_idx %arg9[%add3A_171, %broadcast_in_dim3A_533] : memref<512x64xf32, #tpu.memory_space<vmem>>[vector<16xi32>, vector<16xi32>], vector<16xf32>,
      %gather3A_535 = tpu.vector_load_idx %arg10[%add3A_171, %broadcast_in_dim3A_533] : memref<512x64xf32, #tpu.memory_space<vmem>>[vector<16xi32>, vector<16xi32>], vector<16xf32>,
      %mul3A_536 = arith.mulf %gather3A_534, %gather3A_535 : vector<16xf32>
      %add3A_537 = arith.addf %add3A_513, %mul3A_536 : vector<16xf32>
      %broadcast_in_dim3A_538 = arith.constant 60 : i32
      %broadcast_in_dim3A_539 = vector.broadcast %broadcast_in_dim3A_538 : i32 to vector<16xi32>
      %gather3A_540 = tpu.vector_load_idx %arg9[%add3A_171, %broadcast_in_dim3A_539] : memref<512x64xf32, #tpu.memory_space<vmem>>[vector<16xi32>, vector<16xi32>], vector<16xf32>,
      %gather3A_541 = tpu.vector_load_idx %arg10[%add3A_171, %broadcast_in_dim3A_539] : memref<512x64xf32, #tpu.memory_space<vmem>>[vector<16xi32>, vector<16xi32>], vector<16xf32>,
      %mul3A_542 = arith.mulf %gather3A_540, %gather3A_541 : vector<16xf32>
      %add3A_543 = arith.addf %add3A_519, %mul3A_542 : vector<16xf32>
      %broadcast_in_dim3A_544 = arith.constant 61 : i32
      %broadcast_in_dim3A_545 = vector.broadcast %broadcast_in_dim3A_544 : i32 to vector<16xi32>
      %gather3A_546 = tpu.vector_load_idx %arg9[%add3A_171, %broadcast_in_dim3A_545] : memref<512x64xf32, #tpu.memory_space<vmem>>[vector<16xi32>, vector<16xi32>], vector<16xf32>,
      %gather3A_547 = tpu.vector_load_idx %arg10[%add3A_171, %broadcast_in_dim3A_545] : memref<512x64xf32, #tpu.memory_space<vmem>>[vector<16xi32>, vector<16xi32>], vector<16xf32>,
      %mul3A_548 = arith.mulf %gather3A_546, %gather3A_547 : vector<16xf32>
      %add3A_549 = arith.addf %add3A_525, %mul3A_548 : vector<16xf32>
      %broadcast_in_dim3A_550 = arith.constant 62 : i32
      %broadcast_in_dim3A_551 = vector.broadcast %broadcast_in_dim3A_550 : i32 to vector<16xi32>
      %gather3A_552 = tpu.vector_load_idx %arg9[%add3A_171, %broadcast_in_dim3A_551] : memref<512x64xf32, #tpu.memory_space<vmem>>[vector<16xi32>, vector<16xi32>], vector<16xf32>,
      %gather3A_553 = tpu.vector_load_idx %arg10[%add3A_171, %broadcast_in_dim3A_551] : memref<512x64xf32, #tpu.memory_space<vmem>>[vector<16xi32>, vector<16xi32>], vector<16xf32>,
      %mul3A_554 = arith.mulf %gather3A_552, %gather3A_553 : vector<16xf32>
      %add3A_555 = arith.addf %add3A_531, %mul3A_554 : vector<16xf32>
      %broadcast_in_dim3A_556 = arith.constant 63 : i32
      %broadcast_in_dim3A_557 = vector.broadcast %broadcast_in_dim3A_556 : i32 to vector<16xi32>
      %gather3A_558 = tpu.vector_load_idx %arg9[%add3A_171, %broadcast_in_dim3A_557] : memref<512x64xf32, #tpu.memory_space<vmem>>[vector<16xi32>, vector<16xi32>], vector<16xf32>,
      %gather3A_559 = tpu.vector_load_idx %arg10[%add3A_171, %broadcast_in_dim3A_557] : memref<512x64xf32, #tpu.memory_space<vmem>>[vector<16xi32>, vector<16xi32>], vector<16xf32>,
      %mul3A_560 = arith.mulf %gather3A_558, %gather3A_559 : vector<16xf32>
      %add3A_561 = arith.addf %add3A_537, %mul3A_560 : vector<16xf32>
      %add3A_562 = arith.addf %add3A_543, %add3A_549 : vector<16xf32>
      %add3A_563 = arith.addf %add3A_555, %add3A_561 : vector<16xf32>
      %add3A_564 = arith.addf %add3A_562, %add3A_563 : vector<16xf32>
      %neg3A = arith.constant 0.000000e+00 : f32
      %neg3A_565 = vector.broadcast %neg3A : f32 to vector<16xf32>
      %neg3A_566 = arith.subf %neg3A_565, %add3A_564 : vector<16xf32>
      %exp3A = math.exp %neg3A_566 : vector<16xf32>
      %add3A_567 = arith.constant 1.000000e+00 : f32
      %add3A_568 = vector.broadcast %add3A_567 : f32 to vector<16xf32>
      %add3A_569 = arith.addf %add3A_568, %exp3A : vector<16xf32>
      %div3A = arith.constant 1.000000e+00 : f32
      %div3A_570 = vector.broadcast %div3A : f32 to vector<16xf32>
      %div3A_571 = arith.divf %div3A_570, %add3A_569 : vector<16xf32>
      %mul3A_572 = arith.constant 16 : i32
      %mul3A_573 = arith.muli %add3A_167, %mul3A_572 : i32
      %swap3A = arith.index_cast %mul3A_573 : i32 to index
      %swap3A_574 = tpu.vector_load %arg11[%swap3A] {strides = array<i32>} : memref<512xf32, #tpu.memory_space<vmem>>, vector<16xf32>,
      tpu.vector_store %arg11[%swap3A], %div3A_571 {strides = array<i32>} : memref<512xf32, #tpu.memory_space<vmem>>, vector<16xf32>,
    }
    %scan3A_162 = arith.constant 32 : i32
    "tpu.region"() ({
      %run_scoped3A = tpu.sem_alloc : memref<!tpu.dma_semaphore, #tpu.memory_space<semaphore_mem>>
      %dma_start3A_163 = arith.constant 0 : i32
      %dma_start3A_164 = tpu.memref_slice %arg6[%add3A, %dma_start3A_163] : memref<32x512xf32, #tpu.memory_space<hbm>> -> memref<1x512xf32, #tpu.memory_space<hbm>>
      %dma_start3A_165 = tpu.memref_squeeze %dma_start3A_164 : memref<1x512xf32, #tpu.memory_space<hbm>> -> memref<512xf32, #tpu.memory_space<hbm>>
      %dma_start3A_166 = arith.constant 0 : i32
      %dma_start3A_167 = tpu.memref_slice %arg6[%add3A, %dma_start3A_166] : memref<32x512xf32, #tpu.memory_space<hbm>> -> memref<1x512xf32, #tpu.memory_space<hbm>>
      %dma_start3A_168 = tpu.memref_squeeze %dma_start3A_167 : memref<1x512xf32, #tpu.memory_space<hbm>> -> memref<512xf32, #tpu.memory_space<hbm>>
      tpu.enqueue_dma source(%arg11 : memref<512xf32, #tpu.memory_space<vmem>>) target(%dma_start3A_168 : memref<512xf32, #tpu.memory_space<hbm>>) target_semaphore(%run_scoped3A : memref<!tpu.dma_semaphore, #tpu.memory_space<semaphore_mem>>)
      %dma_wait3A_169 = arith.constant 0 : i32
      %dma_wait3A_170 = tpu.memref_slice %arg6[%add3A, %dma_wait3A_169] : memref<32x512xf32, #tpu.memory_space<hbm>> -> memref<1x512xf32, #tpu.memory_space<hbm>>
      %dma_wait3A_171 = tpu.memref_squeeze %dma_wait3A_170 : memref<1x512xf32, #tpu.memory_space<hbm>> -> memref<512xf32, #tpu.memory_space<hbm>>
      %dma_wait3A_172 = arith.constant 0 : i32
      %dma_wait3A_173 = tpu.memref_slice %arg6[%add3A, %dma_wait3A_172] : memref<32x512xf32, #tpu.memory_space<hbm>> -> memref<1x512xf32, #tpu.memory_space<hbm>>
      %dma_wait3A_174 = tpu.memref_squeeze %dma_wait3A_173 : memref<1x512xf32, #tpu.memory_space<hbm>> -> memref<512xf32, #tpu.memory_space<hbm>>
      tpu.wait_dma2 semaphore(%run_scoped3A : memref<!tpu.dma_semaphore, #tpu.memory_space<semaphore_mem>>) src(%arg11 : memref<512xf32, #tpu.memory_space<vmem>>) dst(%dma_wait3A_174 : memref<512xf32, #tpu.memory_space<hbm>>)
      tpu.yield
    }) : () -> ()
    return
  }
}

</mosaic_0001>

<sc_bundles>
// kernel: kernel.3.cloned.1.call-start
scs
__scs_entry_jumppad:
0x0: {  	(pc) =	sbr.rel $0x88, $3  }
0x1: {  	(tag) =	ssettag $0x0;
	lr =	simm.s32 $0x1  }
0x2: {  	[smem:$0x3F9D] =	sst lr;
	_ =	strace $0xD0000000  }
0x3: {  	_ = 	snop  }
0x4: {  	_ = 	snop  }
0x5: {  	_ = 	snop  }
0x6: {  	_ = 	snop  }
0x7: {  	_ = 	snop  }
__scs_overlays_trampoline_lowered:
0x8: {  	[smem:$0x3FAC] =	sst s0  }
0x9: {  	[smem:$0x3FAD] =	sst s1  }
0xa: {  	[smem:$0x3FAE] =	sst s2  }
0xb: {  	[smem:$0x3FAF] =	sst s3  }
0xc: {  	[smem:$0x3FB0] =	sst s4  }
0xd: {  	[smem:$0x3FB1] =	sst s5  }
0xe: {  	[smem:$0x3FB2] =	sst s6  }
0xf: {  	[smem:$0x3FB3] =	sst s7  }
0x10: {  	[smem:$0x3FB4] =	sst s8  }
0x11: {  	[smem:$0x3FB5] =	sst s9;
	s0 =	simm.s32 @!p0 $0x0  }
0x12: {  	s1 =	sld [smem:$0x3F9B];
	s0 =	simm.s32 @p0 $0x1  }
0x13: {  	[smem:$0x3FB6] =	sst s0;
	s0 =	simm.s32 @!p1 $0x0  }
0x14: {  	s2 =	sld [smem:$0x3F9A];
	s0 =	simm.s32 @p1 $0x1  }
0x15: {  	[smem:$0x3FB7] =	sst s0;
	s0 =	simm.s32 @!p2 $0x0  }
0x16: {  	s3 =	sld [smem:$0x3FDB];
	s0 =	simm.s32 @p2 $0x1  }
0x17: {  	s4 =	simm.s32 $0x1BF5;
	[smem:$0x3FB9] =	sst s0  }
0x18: {  	s0 =	sld [smem:$0x3F9C];
	_ =	swait.ge [sflag:s4], $0x0  }
0x19: {  	s7 =	sld [smem:$0x3F9D]  }
0x1a: {  	s8 =	sadd.s32 $0xFFFFE003, lr  }
0x1b: {  	s9 =	sadd.s32 $0xFFFFFEF7, lr;
	s5 =	simm.s32 $0xFFFFFFFF;
	p2 =	slt.u32 s8, $0xFFFFF086  }
0x1c: {  	p1 =	slt.u32 s9, $0xF7A;
	s5 =	simm.s32 @!p2 $0x0  }
0x1d: {  	s5 =	simm.s32 @p1 $0x1;
	p0 =	seq.s32 s7, s2  }
0x1e: {  	s7 =	smul.u32 @!p0 $0xF7A, s2;
	p2 =	seq.s32 @!p0 s5, $0x0  }
0x1f: {  	s9 =	smul.u32 $0xF7A, s1;
	s8 =	simm.s32 @!p0 $0x1BF5;
	p2 =	por !p2, p0  }
0x20: {  	[sflag:s8] =	ssyncset.s32 @!p0 $0xFFFFF086;
	s6 =	sadd.s32 @!p0 s3, s7;
	s7 =	simm.s32 @!p0 $0x108  }
0x21: {  	s3 =	sadd.s32 s3, s9;
	s6 =	sadd.s32 @!p0 $0x88, s6;
	s7 =	simm.s32 @p2 $0x1082  }
0x22: {  	[simem:s7], [sflag:s8] =	dma.local @!p0 [hbm:s6], $0xF7A  }
0x23: {  	s9 =	sor.u32 $0xD0000000, s2;
	s6 =	simm.s32 $0x108;
	_ =	swait.ge @!p0 [sflag:s8], $0x0  }
0x24: {  	s3 =	sadd.s32 $0x88, s3;
	s6 =	simm.s32 @!p1 $0x1082;
	[sflag:s4] =	ssyncset.s32 $0xFFFFF086  }
0x25: {  	[simem:s6], [sflag:s4] =	dma.local [hbm:s3], $0xF7A  }
0x26: {  	[smem:$0x3F9D] =	sst s1;
	(tag) =	ssettag s2;
	_ =	strace s9  }
0x27: {  	s1 =	sld [smem:$0x3FAD]  }
0x28: {  	s2 =	sld [smem:$0x3FAE]  }
0x29: {  	s4 =	sld [smem:$0x3FB0]  }
0x2a: {  	p0 =	seq.s32 s5, $0x0;
	s5 =	sld [smem:$0x3FB1]  }
0x2b: {  	s6 =	sld [smem:$0x3FB2]  }
0x2c: {  	s7 =	sld [smem:$0x3FB3]  }
0x2d: {  	s3 =	simm.s32 $0x108;
	s8 =	sld [smem:$0x3FB4]  }
0x2e: {  	s3 =	simm.s32 @!p0 $0x1082;
	s9 =	sld [smem:$0x3FB5]  }
0x2f: {  	lr =	sadd.s32 s0, s3;
	s0 =	sld [smem:$0x3FAC]  }
0x30: {  	s3 =	sld [smem:$0x3FAF]  }
0x31: {  	[smem:$0x3FB8] =	sst s10  }
0x32: {  	s10 =	sld [smem:$0x3FB6];
	_ =	sdelay $0x3  }
0x33: {  	p0 =	seq.s32 s10, $0x1;
	s10 =	sld [smem:$0x3FB8];
	_ =	sdelay $0x3  }
0x34: {  	[smem:$0x3FB8] =	sst s10  }
0x35: {  	s10 =	sld [smem:$0x3FB7];
	_ =	sdelay $0x3  }
0x36: {  	p1 =	seq.s32 s10, $0x1;
	s10 =	sld [smem:$0x3FB8];
	_ =	sdelay $0x3  }
0x37: {  	[smem:$0x3FB8] =	sst s10  }
0x38: {  	s10 =	sld [smem:$0x3FB9]  }
0x39: {  	_ = 	snop;
	(pc) =	sbr.ind lr, $3  }
0x3a: {  	_ = 	snop  }
0x3b: {  	_ = 	snop  }
0x3c: {  	p2 =	seq.s32 s10, $0x1;
	s10 =	sld [smem:$0x3FB8]  }
0x3d: {  	_ =	shalt  }
0x3e: {  	_ =	shalt  }
0x3f: {  	_ =	shalt  }
0x40: {  	_ =	shalt  }
0x41: {  	_ =	shalt  }
0x42: {  	_ =	shalt  }
0x43: {  	_ =	shalt  }
0x44: {  	_ =	shalt  }
0x45: {  	_ =	shalt  }
0x46: {  	_ =	shalt  }
0x47: {  	_ =	shalt  }
0x48: {  	_ =	shalt  }
0x49: {  	_ =	shalt  }
0x4a: {  	_ =	shalt  }
0x4b: {  	_ =	shalt  }
0x4c: {  	_ =	shalt  }
0x4d: {  	_ =	shalt  }
0x4e: {  	_ =	shalt  }
0x4f: {  	_ =	shalt  }
0x50: {  	_ =	shalt  }
0x51: {  	_ =	shalt  }
0x52: {  	_ =	shalt  }
0x53: {  	_ =	shalt  }
0x54: {  	_ =	shalt  }
0x55: {  	_ =	shalt  }
0x56: {  	_ =	shalt  }
0x57: {  	_ =	shalt  }
0x58: {  	_ =	shalt  }
0x59: {  	_ =	shalt  }
0x5a: {  	_ =	shalt  }
0x5b: {  	_ =	shalt  }
0x5c: {  	_ =	shalt  }
0x5d: {  	_ =	shalt  }
0x5e: {  	_ =	shalt  }
0x5f: {  	_ =	shalt  }
0x60: {  	_ =	shalt  }
0x61: {  	_ =	shalt  }
0x62: {  	_ =	shalt  }
0x63: {  	_ =	shalt  }
0x64: {  	_ =	shalt  }
0x65: {  	_ =	shalt  }
0x66: {  	_ =	shalt  }
0x67: {  	_ =	shalt  }
0x68: {  	_ =	shalt  }
0x69: {  	_ =	shalt  }
0x6a: {  	_ =	shalt  }
0x6b: {  	_ =	shalt  }
0x6c: {  	_ =	shalt  }
0x6d: {  	_ =	shalt  }
0x6e: {  	_ =	shalt  }
0x6f: {  	_ =	shalt  }
0x70: {  	_ =	shalt  }
0x71: {  	_ =	shalt  }
0x72: {  	_ =	shalt  }
0x73: {  	_ =	shalt  }
0x74: {  	_ =	shalt  }
0x75: {  	_ =	shalt  }
0x76: {  	_ =	shalt  }
0x77: {  	_ =	shalt  }
0x78: {  	_ =	shalt  }
0x79: {  	_ =	shalt  }
0x7a: {  	_ =	shalt  }
0x7b: {  	_ =	shalt  }
0x7c: {  	_ =	shalt  }
0x7d: {  	_ =	shalt  }
0x7e: {  	_ =	shalt  }
0x7f: {  	_ =	shalt  }
0x80: {  	_ =	shalt  }
0x81: {  	_ =	shalt  }
0x82: {  	_ =	shalt  }
0x83: {  	_ =	shalt  }
0x84: {  	_ =	shalt  }
0x85: {  	_ =	shalt  }
0x86: {  	_ =	shalt  }
0x87: {  	_ =	shalt  }
.Lfunc_end0:
.L_simem_size_0:
called_computation_lowered:
.L_overlay_start_0:
0x88: {  	s2 =	sld [smem:$0x3FD9]  }
0x89: {  	s3 =	sld [smem:$0x3FFE];
	_ =	sdelay $0x1  }
0x8a: {  	s1 =	srdreg.scid  }
0x8b: {  	s0 =	sand.u32 $0x1, s1  }
0x8c: {  	s17 =	sshll.u32 s0, $0xA;
	s2 =	sadd.s32 s3, s2  }
0x8d: {  	s2 =	sadd.s32 s2, s17  }
0x8e: {  	[smem:$0x3FC4] =	sst s2  }
0x8f: {  	_ = 	snop  }
0x90: {  	s2 =	sld [smem:$0x3FC9]  }
0x91: {  	s18 =	sld [smem:$0x3FC8]  }
0x92: {  	s4 =	sld [smem:$0x3FD0];
	(tm) =	ssettm $0x1  }
0x93: {  	s5 =	sld [smem:$0x3FFB];
	_ =	sdelay $0x3  }
0x94: {  	_ =	strace s5  }
0x95: {  	s5 =	sld [smem:$0x3FFC];
	_ =	sdelay $0x3  }
0x96: {  	_ =	strace s5  }
0x97: {  	s5 =	sld [smem:$0x3FFD];
	_ =	sdelay $0x3  }
0x98: {  	_ =	strace s5  }
0x99: {  	_ =	strace $0x8FFFFFFF  }
0x9a: {  	s19 =	sld [smem:$0x3FDB];
	_ =	sdelay $0x1  }
0x9b: {  	s6 =	simm.s32 $_scs_section_size  }
0x9c: {  	s7 =	simm.s32 $_size__tile_overlayer_lowered;
	s8 =	simm.s32 $_tile_overlayer_lowered  }
0x9d: {  	s22 =	simm.s32 $0x1BFF;
	s21 =	sshll.u32 s8, $0x1;
	s5 =	sadd.s32 s6, s19  }
0x9e: {  	s9 =	simm.s32 $0x0;
	s20 =	sshll.u32 s7, $0x1;
	s7 =	sadd.s32 s21, s5  }
0x9f: {  	[timem:s9], [sflag:s22] =	dma.local [hbm:s7], s20  }
0xa0: {  	_ =	swait.ge [sflag:s22], s20  }
0xa1: {  	s6 =	ssub.s32 $0x0, s20;
	[sflag:s22] =	ssyncset.done $0x0  }
0xa2: {  	[sflag:s22] =	ssyncadd.s32 s6;
	_ =	sdelay $0x1  }
0xa3: {  	s23 =	simm.s32 $0x1B8B  }
0xa4: {  	_ =	swait.ge [sflag:s23], $0x1  }
0xa5: {  	[sflag:s23] =	ssyncset.done $0x0  }
0xa6: {  	s25 =	simm.s32 $0x1B8E;
	s24 =	sld [smem:$0x3FFE];
	[sflag:s23] =	ssyncadd.s32 $0xFFFFFFFF  }
0xa7: {  	s26 =	simm.s32 $execute0_lowered;
	[smem:$0x3FD2] =	sst s25  }
0xa8: {  	s7 =	sshll.u32 s26, $0x1;
	_ =	strace $0x80000046;
	[dreg:$0x1] =	wrdreg $0xFFFFFFFF  }
0xa9: {  	s28 =	simm.s32 $_size_execute0_lowered;
	s5 =	sadd.s32 s5, s7;
	[dreg:$0x0] =	wrdreg $0x0  }
0xaa: {  	s7 =	sshll.u32 s28, $0x1;
	[dreg:$0x2] =	wrdreg s5  }
0xab: {  	[dreg:$0x3] =	wrdreg s7  }
0xac: {  	[dreg:$0x4] =	wrdreg $0xC0  }
0xad: {  	_ =	task [dreg:s9], $0x5FFFF  }
0xae: {  	[dreg:$0x1] =	wrdreg $0xFFFFFFFF  }
0xaf: {  	[dreg:$0x0] =	wrdreg $0x60  }
0xb0: {  	[dreg:$0x2] =	wrdreg s2  }
0xb1: {  	[dreg:$0x3] =	wrdreg s18  }
0xb2: {  	[dreg:$0x4] =	wrdreg s24  }
0xb3: {  	[dreg:$0x5] =	wrdreg s4  }
0xb4: {  	[dreg:$0x6] =	wrdreg $0x9  }
0xb5: {  	_ =	task.clear_ibuf [dreg:s9], $0x7FFFF;
	_ =	strace $0x90000046  }
0xb6: {  	s29 =	simm.s32 $0x9;
	_ =	strace $0x80000048  }
0xb7: {  	_ =	swait.ge [sflag:s29], $0x1  }
0xb8: {  	[sflag:s29] =	ssyncadd.s32 $0xFFFFFFFF  }
0xb9: {  	_ =	strace $0x90000048  }
0xba: {  	_ =	sfence  }
0xbb: {  	s30 =	sld [smem:$0x0];
	_ =	sdelay $0x2  }
0xbc: {  	s31 =	sshll.u32 s1, $0xD;
	s1 =	sshrl.u32 s1, $0x2  }
0xbd: {  	s3 =	sand.u32 $0x4000, s31;
	s1 =	sadd.s32 s1, s30  }
0xbe: {  	s0 =	sor.u32 s3, s0;
	s1 =	sshll.u32 s1, $0x11  }
0xbf: {  	s0 =	sor.u32 s1, s0  }
0xc0: {  	s0 =	sadd.s32 $0x8F2B, s0  }
0xc1: {  	[sflag:s0] =	ssyncadd.remote.s32 $0x1  }
0xc2: {  	_ =	sfence.sel $0xFFFF  }
0xc3: {  	[dreg:$0x0] =	wrdreg $0xFFFFFFFF;
	(pc) =	sbr.abs _section_cstart, $3  }
0xc4: {  	[dreg:$0x1] =	wrdreg $0xFFFFFFFF  }
0xc5: {  	_ =	task.clear_ibuf [dreg:s9], $0x2FFFF;
	_ =	strace $0x9FFFFFFF  }
0xc6: {  	(tm) =	ssettm $0x7FFFFFFF  }
0xc7: {  	_ =	shalt  }
tec
execute0_lowered:
.L_overlay_start_1:
0x0: {  	(tag) =	ssettag $0x1  }
0x1: {  	s5 =	rddreg [dreg:$0x0]  }
0x2: {  	s6 =	rddreg [dreg:$0x1]  }
0x3: {  	s4 =	rddreg [dreg:$0x2]  }
0x4: {  	s7 =	rddreg [dreg:$0x3]  }
0x5: {  	s0 =	rddreg [dreg:$0x4];
	s1 =	simm.s32 $0x0  }
0x6: {  	s8 =	srdreg.scid;
	s2 =	stileid.u32;
	s12 =	simm.s32 $0x400  }
0x7: {  	s13 =	simm.s32 $0x8400;
	s14 =	simm.s32 $0x2400;
	s15 =	simm.s32 $0x280  }
0x8: {  	s16 =	simm.s32 $0xA400;
	s17 =	simm.s32 $0x100;
	s18 =	simm.s32 $0x4400  }
0x9: {  	s19 =	simm.s32 $0x300;
	s20 =	simm.s32 $0xC400;
	s21 =	simm.s32 $0x180  }
0xa: {  	s22 =	simm.s32 $0x6400;
	s23 =	simm.s32 $0x380;
	s24 =	simm.s32 $0xE400  }
0xb: {  	s25 =	simm.s32 $0x1;
	s26 =	simm.s32 $0x10400;
	s28 =	simm.s32 $0x0  }
0xc: {  	[smem:$0x7FF] =	sst s1;
	s3 =	sadd.s32 $0xF42800, s4;
	s8 =	sand.u32 $0x1, s8  }
0xd: {  	s10 =	sshll.u32 s2, $0x7;
	s4 =	sadd.s32 $0x16E3A00, s4;
	s9 =	ssub.s32 $0x2, s8  }
0xe: {  	v0 =	vlaneseq.u32;
	_ =	strace $0x80000047;
	s8 =	sshll.u32 s8, $0x6;
	s11 =	sshrl.u32 s9, $0x1  }
0xf: {  	v1 =	vmul.u32 $0x40, v0;
	s8 =	sor.u32 s8, s10;
	s10 =	simm.s32 $0x200;
	s9 =	ssub.s32 s9, s11  }
0x10: {  	s5 =	sadd.s32 s5, s8;
	s6 =	sadd.s32 s6, s8;
	s7 =	sadd.s32 s7, s8  }
0x11: {  	[tilespmem:$0x1FFF0] =	vst v1;
	s11 =	simm.s32 $0x80;
	s8 =	smax.u32 s9, $0x1;
	s9 =	simm.s32 $0x2  }
.LBB2_1:
0x12: {  	[tilespmem:s1], [sflag:$0x2] =	stream.linear.gather [hbm4b:s5+s1], $0x200, $0x38;
	[tilespmem:$0x10600] =	vst v63  }
0x13: {  	_ =	swait.ge [sflag:s9], $0x200  }
0x14: {  	[sflag:s9] =	ssyncset.done $0x0  }
0x15: {  	[sflag:s9] =	ssyncadd.s32 $0xFFFFFE00  }
0x16: {  	[tilespmem:s10], [sflag:$0x2] =	stream.linear.gather [hbm4b:s6+s1], $0x200, $0x38;
	[tilespmem:$0x10600] =	vst v63  }
0x17: {  	_ =	swait.ge [sflag:s9], $0x200  }
0x18: {  	[sflag:s9] =	ssyncset.done $0x0  }
0x19: {  	[sflag:s9] =	ssyncadd.s32 $0xFFFFFE00  }
0x1a: {  	[tilespmem:s12], [sflag:$0x1] =	stream.indirect.gather [hbm4b:s3+s11], $0x40, s1, s11, $0xb8;
	[tilespmem:$0x10600] =	vst v63  }
0x1b: {  	_ = 	snop  }
0x1c: {  	[tilespmem:s13], [sflag:$0x1] =	stream.indirect.gather [hbm4b:s4+s11], $0x40, s10, s11, $0xb8;
	[tilespmem:$0x10600] =	vst v63  }
0x1d: {  	_ = 	snop  }
0x1e: {  	[tilespmem:s14], [sflag:$0x1] =	stream.indirect.gather [hbm4b:s3+s11], $0x40, s11, s11, $0xb8;
	[tilespmem:$0x10600] =	vst v63  }
0x1f: {  	_ = 	snop  }
0x20: {  	[tilespmem:s16], [sflag:$0x1] =	stream.indirect.gather [hbm4b:s4+s11], $0x40, s15, s11, $0xb8;
	[tilespmem:$0x10600] =	vst v63  }
0x21: {  	_ = 	snop  }
0x22: {  	[tilespmem:s18], [sflag:$0x1] =	stream.indirect.gather [hbm4b:s3+s11], $0x40, s17, s11, $0xb8;
	[tilespmem:$0x10600] =	vst v63  }
0x23: {  	_ = 	snop  }
0x24: {  	[tilespmem:s20], [sflag:$0x1] =	stream.indirect.gather [hbm4b:s4+s11], $0x40, s19, s11, $0xb8;
	[tilespmem:$0x10600] =	vst v63  }
0x25: {  	_ = 	snop  }
0x26: {  	[tilespmem:s22], [sflag:$0x1] =	stream.indirect.gather [hbm4b:s3+s11], $0x40, s21, s11, $0xb8;
	[tilespmem:$0x10600] =	vst v63  }
0x27: {  	_ = 	snop  }
0x28: {  	[tilespmem:s24], [sflag:$0x1] =	stream.indirect.gather [hbm4b:s4+s11], $0x40, s23, s11, $0xb8;
	[tilespmem:$0x10600] =	vst v63  }
0x29: {  	_ =	swait.ge [sflag:s25], $0x2000  }
0x2a: {  	[sflag:s25] =	ssyncset.done $0x0  }
0x2b: {  	[sflag:s25] =	ssyncadd.s32 $0xFFFFE000  }
0x2c: {  	_ =	swait.ge [sflag:s25], $0x2000  }
0x2d: {  	[sflag:s25] =	ssyncset.done $0x0  }
0x2e: {  	[sflag:s25] =	ssyncadd.s32 $0xFFFFE000  }
0x2f: {  	_ =	swait.ge [sflag:s25], $0x2000  }
0x30: {  	[sflag:s25] =	ssyncset.done $0x0  }
0x31: {  	[sflag:s25] =	ssyncadd.s32 $0xFFFFE000  }
0x32: {  	_ =	swait.ge [sflag:s25], $0x2000  }
0x33: {  	[sflag:s25] =	ssyncset.done $0x0  }
0x34: {  	[sflag:s25] =	ssyncadd.s32 $0xFFFFE000  }
0x35: {  	_ =	swait.ge [sflag:s25], $0x2000  }
0x36: {  	[sflag:s25] =	ssyncset.done $0x0  }
0x37: {  	[sflag:s25] =	ssyncadd.s32 $0xFFFFE000  }
0x38: {  	_ =	swait.ge [sflag:s25], $0x2000  }
0x39: {  	v0 =	vmov s1;
	[sflag:s25] =	ssyncset.done $0x0  }
0x3a: {  	v0 =	vshll.u32 v0, $0x6;
	[sflag:s25] =	ssyncadd.s32 $0xFFFFE000  }
0x3b: {  	v9 =	vor.u32 v1, v0;
	_ =	swait.ge [sflag:s25], $0x2000  }
0x3c: {  	v0 =	vor.u32 $0x3C, v9;
	[sflag:s25] =	ssyncset.done $0x0  }
0x3d: {  	[sflag:s25] =	ssyncadd.s32 $0xFFFFE000  }
0x3e: {  	_ =	swait.ge [sflag:s25], $0x2000  }
0x3f: {  	[sflag:s25] =	ssyncset.done $0x0  }
0x40: {  	[sflag:s25] =	ssyncadd.s32 $0xFFFFE000  }
0x41: {  	v3 =	vld.idx.msk [tilespmem:v0+s12+$0x0], $0xffff  }
0x42: {  	v1 =	vor.u32 $0x3D, v9;
	v0 =	vld.idx.msk [tilespmem:v0+s13+$0x0], $0xffff;
	_ =	sdelay $0x4  }
0x43: {  	[tilespmem:$0x1FC20] =	vst v0;
	v0 =	vld.idx.msk [tilespmem:v1+s12+$0x0], $0xffff;
	_ =	sdelay $0x4  }
0x44: {  	v2 =	vor.u32 $0x3E, v9;
	[tilespmem:$0x1FC30] =	vst v0;
	v0 =	vld.idx.msk [tilespmem:v1+s13+$0x0], $0xffff;
	_ =	sdelay $0x4  }
0x45: {  	[tilespmem:$0x1FC40] =	vst v0;
	v0 =	vld.idx.msk [tilespmem:v2+s12+$0x0], $0xffff;
	_ =	sdelay $0x3  }
0x46: {  	[tilespmem:$0x1FC10] =	vst v3  }
0x47: {  	v3 =	vor.u32 $0x38, v9;
	[tilespmem:$0x1FDB0] =	vst v0;
	v0 =	vld.idx.msk [tilespmem:v2+s13+$0x0], $0xffff;
	_ =	sdelay $0x4  }
0x48: {  	v5 =	vor.u32 $0x3A, v9;
	[tilespmem:$0x1FDC0] =	vst v0;
	v0 =	vld.idx.msk [tilespmem:v3+s12+$0x0], $0xffff;
	_ =	sdelay $0x4  }
0x49: {  	[tilespmem:$0x1FC50] =	vst v0;
	v0 =	vld.idx.msk [tilespmem:v5+s12+$0x0], $0xffff;
	_ =	sdelay $0x4  }
0x4a: {  	v8 =	vor.u32 $0x36, v9;
	[tilespmem:$0x1FD80] =	vst v0;
	v0 =	vld.idx.msk [tilespmem:v5+s13+$0x0], $0xffff;
	_ =	sdelay $0x4  }
0x4b: {  	[tilespmem:$0x1FD90] =	vst v0;
	v0 =	vld.idx.msk [tilespmem:v8+s12+$0x0], $0xffff;
	_ =	sdelay $0x4  }
0x4c: {  	v12 =	vor.u32 $0x32, v9;
	[tilespmem:$0x1FD40] =	vst v0;
	v0 =	vld.idx.msk [tilespmem:v8+s13+$0x0], $0xffff;
	_ =	sdelay $0x2  }
0x4d: {  	v11 =	vor.u32 $0x31, v9;
	_ =	sdelay $0x1  }
0x4e: {  	[tilespmem:$0x1FD50] =	vst v0;
	v0 =	vld.idx.msk [tilespmem:v12+s12+$0x0], $0xffff;
	_ =	sdelay $0x1  }
0x4f: {  	v4 =	vor.u32 $0x39, v9  }
0x50: {  	v35 =	vld.idx.msk [tilespmem:v11+s12+$0x0], $0xffff  }
0x51: {  	v6 =	vor.u32 $0x34, v9;
	v36 =	vld.idx.msk [tilespmem:v11+s13+$0x0], $0xffff  }
0x52: {  	v11 =	vor.u32 $0x2E, v9;
	[tilespmem:$0x1FD20] =	vst v0;
	v0 =	vld.idx.msk [tilespmem:v12+s13+$0x0], $0xffff;
	_ =	sdelay $0x1  }
0x53: {  	v7 =	vor.u32 $0x35, v9;
	v25 =	vld.idx.msk [tilespmem:v4+s12+$0x0], $0xffff  }
0x54: {  	v26 =	vld.idx.msk [tilespmem:v4+s13+$0x0], $0xffff  }
0x55: {  	v10 =	vor.u32 $0x30, v9;
	v29 =	vld.idx.msk [tilespmem:v6+s12+$0x0], $0xffff  }
0x56: {  	[tilespmem:$0x1FD30] =	vst v0;
	v0 =	vld.idx.msk [tilespmem:v11+s12+$0x0], $0xffff  }
0x57: {  	v30 =	vld.idx.msk [tilespmem:v6+s13+$0x0], $0xffff  }
0x58: {  	v13 =	vor.u32 $0x2C, v9;
	v31 =	vld.idx.msk [tilespmem:v7+s12+$0x0], $0xffff  }
0x59: {  	v32 =	vld.idx.msk [tilespmem:v7+s13+$0x0], $0xffff  }
0x5a: {  	v15 =	vor.u32 $0x24, v9;
	v33 =	vld.idx.msk [tilespmem:v10+s12+$0x0], $0xffff  }
0x5b: {  	v14 =	vor.u32 $0x2A, v9;
	[tilespmem:$0x1FD00] =	vst v0;
	v0 =	vld.idx.msk [tilespmem:v11+s13+$0x0], $0xffff  }
0x5c: {  	v34 =	vld.idx.msk [tilespmem:v10+s13+$0x0], $0xffff  }
0x5d: {  	v17 =	vor.u32 $0x25, v9;
	v37 =	vld.idx.msk [tilespmem:v13+s12+$0x0], $0xffff  }
0x5e: {  	v38 =	vld.idx.msk [tilespmem:v13+s13+$0x0], $0xffff  }
0x5f: {  	v21 =	vor.u32 $0x20, v9;
	v45 =	vld.idx.msk [tilespmem:v15+s12+$0x0], $0xffff  }
0x60: {  	[tilespmem:$0x1FD10] =	vst v0;
	v0 =	vld.idx.msk [tilespmem:v14+s12+$0x0], $0xffff  }
0x61: {  	v46 =	vld.idx.msk [tilespmem:v15+s13+$0x0], $0xffff  }
0x62: {  	v24 =	vor.u32 $0x21, v9;
	v47 =	vld.idx.msk [tilespmem:v17+s12+$0x0], $0xffff  }
0x63: {  	v48 =	vld.idx.msk [tilespmem:v17+s13+$0x0], $0xffff  }
0x64: {  	v28 =	vor.u32 $0x1C, v9;
	v49 =	vld.idx.msk [tilespmem:v21+s12+$0x0], $0xffff  }
0x65: {  	v18 =	vor.u32 $0x26, v9;
	[tilespmem:$0x1FCE0] =	vst v0;
	v0 =	vld.idx.msk [tilespmem:v14+s13+$0x0], $0xffff  }
0x66: {  	v50 =	vld.idx.msk [tilespmem:v21+s13+$0x0], $0xffff  }
0x67: {  	v59 =	vor.u32 $0x14, v9;
	v51 =	vld.idx.msk [tilespmem:v24+s12+$0x0], $0xffff  }
0x68: {  	v52 =	vld.idx.msk [tilespmem:v24+s13+$0x0], $0xffff  }
0x69: {  	v62 =	vor.u32 $0x15, v9;
	v53 =	vld.idx.msk [tilespmem:v28+s12+$0x0], $0xffff  }
0x6a: {  	[tilespmem:$0x1FCF0] =	vst v0;
	v0 =	vld.idx.msk [tilespmem:v18+s12+$0x0], $0xffff  }
0x6b: {  	v54 =	vld.idx.msk [tilespmem:v28+s13+$0x0], $0xffff  }
0x6c: {  	v10 =	vor.u32 $0x2D, v9;
	v20 =	vld.idx.msk [tilespmem:v59+s12+$0x0], $0xffff  }
0x6d: {  	v59 =	vld.idx.msk [tilespmem:v59+s13+$0x0], $0xffff  }
0x6e: {  	v13 =	vor.u32 $0x29, v9;
	v19 =	vld.idx.msk [tilespmem:v62+s12+$0x0], $0xffff  }
0x6f: {  	v27 =	vor.u32 $0x22, v9;
	[tilespmem:$0x1FCC0] =	vst v0;
	v0 =	vld.idx.msk [tilespmem:v18+s13+$0x0], $0xffff  }
0x70: {  	v62 =	vld.idx.msk [tilespmem:v62+s13+$0x0], $0xffff  }
0x71: {  	v21 =	vor.u32 $0x1D, v9;
	v39 =	vld.idx.msk [tilespmem:v10+s12+$0x0], $0xffff  }
0x72: {  	v40 =	vld.idx.msk [tilespmem:v10+s13+$0x0], $0xffff  }
0x73: {  	v28 =	vor.u32 $0x19, v9;
	v43 =	vld.idx.msk [tilespmem:v13+s12+$0x0], $0xffff  }
0x74: {  	[tilespmem:$0x1FCD0] =	vst v0;
	v0 =	vld.idx.msk [tilespmem:v27+s12+$0x0], $0xffff  }
0x75: {  	v44 =	vld.idx.msk [tilespmem:v13+s13+$0x0], $0xffff;
	v25 =	vmul.f32 v26, v25;
	v26 =	vmul.f32 v32, v31  }
0x76: {  	v55 =	vld.idx.msk [tilespmem:v21+s12+$0x0], $0xffff  }
0x77: {  	v56 =	vld.idx.msk [tilespmem:v21+s13+$0x0], $0xffff;
	[tilespmem:$0x1FD70] =	vst v26;
	v26 =	vmul.f32 v36, v35;
	v35 =	vor.u32 $0x3, v9  }
0x78: {  	v61 =	vld.idx.msk [tilespmem:v28+s12+$0x0], $0xffff  }
0x79: {  	v24 =	vor.u32 $0x1E, v9;
	[tilespmem:$0x1FCA0] =	vst v0;
	v0 =	vld.idx.msk [tilespmem:v27+s13+$0x0], $0xffff  }
0x7a: {  	v63 =	vld.idx.msk [tilespmem:v28+s13+$0x0], $0xffff;
	v1 =	vor.u32 $0x12, v9  }
0x7b: {  	v4 =	vld [tilespmem:$0x1FC10]  }
0x7c: {  	v20 =	vmul.f32 v59, v20;
	v59 =	vld.idx.msk [tilespmem:v35+s12+$0x0], $0xffff;
	v2 =	vor.u32 $0xC, v9  }
0x7d: {  	v35 =	vld.idx.msk [tilespmem:v35+s13+$0x0], $0xffff  }
0x7e: {  	[tilespmem:$0x1FCB0] =	vst v0;
	v0 =	vld.idx.msk [tilespmem:v24+s12+$0x0], $0xffff  }
0x7f: {  	v23 =	vld.idx.msk [tilespmem:v1+s13+$0x0], $0xffff  }
0x80: {  	v28 =	vld [tilespmem:$0x1FC40];
	v12 =	vor.u32 $0x28, v9  }
0x81: {  	v15 =	vld.idx.msk [tilespmem:v2+s12+$0x0], $0xffff  }
0x82: {  	v14 =	vld.idx.msk [tilespmem:v2+s13+$0x0], $0xffff;
	v2 =	vor.u32 $0x9, v9  }
0x83: {  	v57 =	vor.u32 $0x1A, v9;
	[tilespmem:$0x1FC80] =	vst v0;
	v0 =	vld.idx.msk [tilespmem:v24+s13+$0x0], $0xffff  }
0x84: {  	v3 =	vld.idx.msk [tilespmem:v3+s13+$0x0], $0xffff  }
0x85: {  	v41 =	vld.idx.msk [tilespmem:v12+s12+$0x0], $0xffff;
	v27 =	vor.u32 $0x18, v9  }
0x86: {  	v42 =	vld.idx.msk [tilespmem:v12+s13+$0x0], $0xffff  }
0x87: {  	v10 =	vld.idx.msk [tilespmem:v2+s12+$0x0], $0xffff  }
0x88: {  	[tilespmem:$0x1FC90] =	vst v0;
	v0 =	vld.idx.msk [tilespmem:v57+s12+$0x0], $0xffff  }
0x89: {  	v8 =	vld.idx.msk [tilespmem:v2+s13+$0x0], $0xffff  }
0x8a: {  	v58 =	vld.idx.msk [tilespmem:v27+s12+$0x0], $0xffff  }
0x8b: {  	[tilespmem:$0x1FDA0] =	vst v25;
	v25 =	vmul.f32 v30, v29;
	v60 =	vld.idx.msk [tilespmem:v27+s13+$0x0], $0xffff  }
0x8c: {  	v30 =	vmul.f32 v40, v39;
	v40 =	vor.u32 $0x7, v9;
	v31 =	vmul.f32 v42, v41;
	v27 =	vld [tilespmem:$0x1FC20]  }
0x8d: {  	v42 =	vmul.f32 v54, v53;
	v53 =	vmul.f32 v56, v55;
	v56 =	vor.u32 $0xB, v9;
	[tilespmem:$0x1FC60] =	vst v0;
	v0 =	vld.idx.msk [tilespmem:v57+s13+$0x0], $0xffff  }
0x8e: {  	v41 =	vmul.f32 v52, v51;
	v52 =	vld.idx.msk [tilespmem:v9+s13+$0x0], $0xffff  }
0x8f: {  	v55 =	vld.idx.msk [tilespmem:v9+s12+$0x0], $0xffff;
	v2 =	vor.u32 $0x5, v9  }
0x90: {  	v24 =	vld.idx.msk [tilespmem:v1+s12+$0x0], $0xffff;
	v1 =	vor.u32 $0x8, v9  }
0x91: {  	v14 =	vmul.f32 v14, v15;
	v15 =	vld.idx.msk [tilespmem:v40+s12+$0x0], $0xffff  }
0x92: {  	v8 =	vmul.f32 v8, v10;
	v10 =	vld.idx.msk [tilespmem:v56+s13+$0x0], $0xffff;
	v4 =	vmul.f32 v27, v4;
	[tilespmem:$0x1FC70] =	vst v0;
	v0 =	vor.u32 $0x11, v9  }
0x93: {  	v27 =	vld [tilespmem:$0x1FC30]  }
0x94: {  	v54 =	vmul.f32 v60, v58;
	v60 =	vor.u32 $0xE, v9;
	[tilespmem:$0x1FDD0] =	vst v4;
	v4 =	vld.idx.msk [tilespmem:v2+s12+$0x0], $0xffff  }
0x95: {  	v11 =	vld.idx.msk [tilespmem:v1+s12+$0x0], $0xffff  }
0x96: {  	v7 =	vld.idx.msk [tilespmem:v1+s13+$0x0], $0xffff;
	v1 =	vor.u32 $0x4, v9  }
0x97: {  	v17 =	vld.idx.msk [tilespmem:v0+s12+$0x0], $0xffff  }
0x98: {  	v27 =	vmul.f32 v28, v27;
	v16 =	vld.idx.msk [tilespmem:v0+s13+$0x0], $0xffff;
	v0 =	vor.u32 $0xD, v9  }
0x99: {  	v58 =	vmul.f32 v63, v61;
	v61 =	vld.idx.msk [tilespmem:v60+s12+$0x0], $0xffff  }
0x9a: {  	[tilespmem:$0x1FDE0] =	vst v27;
	v27 =	vld [tilespmem:$0x1FC50]  }
0x9b: {  	v6 =	vld.idx.msk [tilespmem:v1+s12+$0x0], $0xffff  }
0x9c: {  	v5 =	vld.idx.msk [tilespmem:v1+s13+$0x0], $0xffff;
	v1 =	vor.u32 $0x1, v9  }
0x9d: {  	v13 =	vld.idx.msk [tilespmem:v0+s12+$0x0], $0xffff  }
0x9e: {  	v12 =	vld.idx.msk [tilespmem:v0+s13+$0x0], $0xffff;
	v0 =	vor.u32 $0xA, v9  }
0x9f: {  	v7 =	vmul.f32 v7, v11;
	v11 =	vld.idx.msk [tilespmem:v40+s13+$0x0], $0xffff  }
0xa0: {  	v57 =	vor.u32 $0x10, v9;
	v27 =	vmul.f32 v3, v27;
	v3 =	vld.idx.msk [tilespmem:v2+s13+$0x0], $0xffff  }
0xa1: {  	v33 =	vmul.f32 v34, v33;
	v34 =	vld.idx.msk [tilespmem:v1+s12+$0x0], $0xffff  }
0xa2: {  	v2 =	vor.u32 $0x2, v9;
	v1 =	vld.idx.msk [tilespmem:v1+s13+$0x0], $0xffff  }
0xa3: {  	v22 =	vld.idx.msk [tilespmem:v0+s12+$0x0], $0xffff  }
0xa4: {  	v21 =	vld.idx.msk [tilespmem:v0+s13+$0x0], $0xffff;
	v0 =	vor.u32 $0x6, v9  }
0xa5: {  	v19 =	vmul.f32 v62, v19;
	v18 =	vld.idx.msk [tilespmem:v57+s12+$0x0], $0xffff  }
0xa6: {  	v5 =	vmul.f32 v5, v6;
	v6 =	vld.idx.msk [tilespmem:v56+s12+$0x0], $0xffff;
	v12 =	vmul.f32 v12, v13;
	v13 =	vor.u32 $0xF, v9  }
0xa7: {  	v29 =	vmul.f32 v38, v37;
	v37 =	vld.idx.msk [tilespmem:v2+s12+$0x0], $0xffff;
	v1 =	vmul.f32 v1, v34  }
0xa8: {  	v62 =	vor.u32 $0x13, v9;
	v2 =	vld.idx.msk [tilespmem:v2+s13+$0x0], $0xffff;
	v3 =	vmul.f32 v3, v4;
	v4 =	vmul.f32 v52, v55  }
0xa9: {  	[tilespmem:$0x1FD60] =	vst v25;
	v63 =	vor.u32 $0x17, v9;
	v1 =	vadd.f32 $0.0e+00, v1;
	v25 =	vld.idx.msk [tilespmem:v0+s12+$0x0], $0xffff  }
0xaa: {  	v4 =	vadd.f32 $0.0e+00, v4;
	v0 =	vld.idx.msk [tilespmem:v0+s13+$0x0], $0xffff  }
0xab: {  	v35 =	vmul.f32 v35, v59;
	v11 =	vmul.f32 v11, v15;
	v1 =	vadd.f32 v3, v1;
	v15 =	vld.idx.msk [tilespmem:v13+s12+$0x0], $0xffff  }
0xac: {  	v4 =	vadd.f32 v5, v4;
	v5 =	vld.idx.msk [tilespmem:v13+s13+$0x0], $0xffff  }
0xad: {  	v1 =	vadd.f32 v8, v1;
	v8 =	vld.idx.msk [tilespmem:v62+s13+$0x0], $0xffff;
	v13 =	vadd.f32 $0.0e+00, v35  }
0xae: {  	v16 =	vmul.f32 v16, v17;
	v17 =	vor.u32 $0x16, v9;
	v3 =	vmul.f32 v21, v22;
	v21 =	vld.idx.msk [tilespmem:v63+s13+$0x0], $0xffff  }
0xaf: {  	v2 =	vmul.f32 v2, v37;
	v11 =	vadd.f32 v11, v13;
	v13 =	vld.idx.msk [tilespmem:v62+s12+$0x0], $0xffff  }
0xb0: {  	v6 =	vmul.f32 v10, v6;
	v0 =	vmul.f32 v0, v25;
	v25 =	vld.idx.msk [tilespmem:v60+s13+$0x0], $0xffff  }
0xb1: {  	v2 =	vadd.f32 $0.0e+00, v2;
	v1 =	vadd.f32 v12, v1;
	v5 =	vmul.f32 v5, v15;
	v15 =	vld.idx.msk [tilespmem:v63+s12+$0x0], $0xffff  }
0xb2: {  	v57 =	vld.idx.msk [tilespmem:v57+s13+$0x0], $0xffff;
	v10 =	vor.u32 $0x1B, v9;
	v4 =	vadd.f32 v7, v4;
	v6 =	vadd.f32 v6, v11  }
0xb3: {  	v1 =	vadd.f32 v16, v1;
	v0 =	vadd.f32 v0, v2;
	v2 =	vld.idx.msk [tilespmem:v17+s12+$0x0], $0xffff  }
0xb4: {  	v12 =	vor.u32 $0x23, v9;
	v17 =	vld.idx.msk [tilespmem:v17+s13+$0x0], $0xffff;
	v5 =	vadd.f32 v5, v6;
	v8 =	vmul.f32 v8, v13  }
0xb5: {  	v1 =	vadd.f32 v19, v1;
	v19 =	vld [tilespmem:$0x1FC70];
	v0 =	vadd.f32 v3, v0;
	v7 =	vmul.f32 v25, v61  }
0xb6: {  	v3 =	vor.u32 $0x1F, v9;
	v5 =	vadd.f32 v8, v5;
	v8 =	vmul.f32 v21, v15;
	v15 =	vld [tilespmem:$0x1FC60]  }
0xb7: {  	v0 =	vadd.f32 v7, v0;
	v7 =	vld.idx.msk [tilespmem:v10+s12+$0x0], $0xffff  }
0xb8: {  	v6 =	vor.u32 $0x27, v9;
	v10 =	vld.idx.msk [tilespmem:v10+s13+$0x0], $0xffff  }
0xb9: {  	v18 =	vmul.f32 v57, v18;
	v4 =	vadd.f32 v14, v4;
	v2 =	vmul.f32 v17, v2;
	v17 =	vld.idx.msk [tilespmem:v12+s12+$0x0], $0xffff  }
0xba: {  	v12 =	vld.idx.msk [tilespmem:v12+s13+$0x0], $0xffff  }
0xbb: {  	v4 =	vadd.f32 v18, v4;
	v22 =	vmul.f32 v23, v24;
	v18 =	vld.idx.msk [tilespmem:v3+s12+$0x0], $0xffff  }
0xbc: {  	v14 =	vor.u32 $0x3B, v9;
	v16 =	vor.u32 $0x2F, v9;
	v3 =	vld.idx.msk [tilespmem:v3+s13+$0x0], $0xffff  }
0xbd: {  	v23 =	vor.u32 $0x37, v9;
	v0 =	vadd.f32 v22, v0;
	v15 =	vmul.f32 v19, v15;
	v19 =	vld.idx.msk [tilespmem:v6+s12+$0x0], $0xffff  }
0xbe: {  	v11 =	vor.u32 $0x3F, v9;
	v13 =	vor.u32 $0x33, v9;
	v9 =	vor.u32 $0x2B, v9;
	v6 =	vld.idx.msk [tilespmem:v6+s13+$0x0], $0xffff  }
0xbf: {  	v0 =	vadd.f32 v2, v0;
	v2 =	vadd.f32 v8, v5;
	v8 =	vld [tilespmem:$0x1FC90]  }
0xc0: {  	v5 =	vmul.f32 v10, v7;
	v7 =	vld [tilespmem:$0x1FC80]  }
0xc1: {  	v10 =	vld [tilespmem:$0x1FCB0]  }
0xc2: {  	v0 =	vadd.f32 v15, v0;
	v15 =	vld [tilespmem:$0x1FCD0];
	v2 =	vadd.f32 v5, v2;
	v3 =	vmul.f32 v3, v18  }
0xc3: {  	v5 =	vld.idx.msk [tilespmem:v9+s13+$0x0], $0xffff  }
0xc4: {  	v2 =	vadd.f32 v3, v2;
	v3 =	vmul.f32 v12, v17;
	v12 =	vld [tilespmem:$0x1FCC0]  }
0xc5: {  	v7 =	vmul.f32 v8, v7;
	v8 =	vld.idx.msk [tilespmem:v9+s12+$0x0], $0xffff  }
0xc6: {  	v9 =	vld [tilespmem:$0x1FCA0];
	_ =	sdelay $0x2  }
0xc7: {  	v2 =	vadd.f32 v3, v2;
	v3 =	vmul.f32 v6, v19;
	v6 =	vld.idx.msk [tilespmem:v13+s13+$0x0], $0xffff  }
0xc8: {  	v0 =	vadd.f32 v7, v0;
	v7 =	vld.idx.msk [tilespmem:v16+s13+$0x0], $0xffff  }
0xc9: {  	v12 =	vmul.f32 v15, v12;
	v15 =	vld.idx.msk [tilespmem:v13+s12+$0x0], $0xffff;
	v9 =	vmul.f32 v10, v9  }
0xca: {  	v4 =	vadd.f32 v20, v4;
	v13 =	vld [tilespmem:$0x1FCF0]  }
0xcb: {  	v0 =	vadd.f32 v9, v0;
	v9 =	vld [tilespmem:$0x1FCE0]  }
0xcc: {  	v4 =	vadd.f32 v54, v4;
	v10 =	vld.idx.msk [tilespmem:v16+s12+$0x0], $0xffff;
	_ =	sdelay $0x1  }
0xcd: {  	v39 =	vmul.f32 v50, v49;
	v4 =	vadd.f32 v42, v4  }
0xce: {  	v36 =	vmul.f32 v46, v45;
	v2 =	vadd.f32 v3, v2;
	v3 =	vmul.f32 v5, v8;
	v5 =	vld.idx.msk [tilespmem:v23+s13+$0x0], $0xffff  }
0xcf: {  	v4 =	vadd.f32 v39, v4;
	v1 =	vadd.f32 v58, v1;
	v9 =	vmul.f32 v13, v9;
	v13 =	vld.idx.msk [tilespmem:v23+s12+$0x0], $0xffff  }
0xd0: {  	v2 =	vadd.f32 v3, v2;
	v3 =	vmul.f32 v7, v10  }
0xd1: {  	v4 =	vadd.f32 v36, v4;
	v1 =	vadd.f32 v53, v1;
	v8 =	vld [tilespmem:$0x1FD00]  }
0xd2: {  	v0 =	vadd.f32 v12, v0;
	v12 =	vld [tilespmem:$0x1FD10];
	v2 =	vadd.f32 v3, v2;
	v3 =	vmul.f32 v6, v15  }
0xd3: {  	v38 =	vmul.f32 v48, v47;
	v4 =	vadd.f32 v31, v4;
	v7 =	vld.idx.msk [tilespmem:v14+s13+$0x0], $0xffff  }
0xd4: {  	v1 =	vadd.f32 v41, v1;
	v2 =	vadd.f32 v3, v2;
	v3 =	vmul.f32 v5, v13;
	v5 =	vld [tilespmem:$0x1FD60]  }
0xd5: {  	v4 =	vadd.f32 v29, v4;
	v10 =	vld [tilespmem:$0x1FD30]  }
0xd6: {  	v32 =	vmul.f32 v44, v43;
	v1 =	vadd.f32 v38, v1;
	v0 =	vadd.f32 v9, v0;
	v9 =	vld [tilespmem:$0x1FD20]  }
0xd7: {  	v4 =	vadd.f32 v33, v4;
	v6 =	vld.idx.msk [tilespmem:v11+s13+$0x0], $0xffff  }
0xd8: {  	v1 =	vadd.f32 v32, v1;
	v8 =	vmul.f32 v12, v8;
	v12 =	vld.idx.msk [tilespmem:v14+s12+$0x0], $0xffff  }
0xd9: {  	v4 =	vadd.f32 v5, v4;
	v5 =	vld [tilespmem:$0x1FD70]  }
0xda: {  	v1 =	vadd.f32 v30, v1;
	v0 =	vadd.f32 v8, v0;
	v8 =	vld [tilespmem:$0x1FD40]  }
0xdb: {  	v9 =	vmul.f32 v10, v9;
	v10 =	vld.idx.msk [tilespmem:v11+s12+$0x0], $0xffff  }
0xdc: {  	v1 =	vadd.f32 v26, v1;
	v11 =	vld [tilespmem:$0x1FD50]  }
0xdd: {  	v0 =	vadd.f32 v9, v0;
	v9 =	vld [tilespmem:$0x1FD90]  }
0xde: {  	v1 =	vadd.f32 v5, v1;
	v5 =	vld [tilespmem:$0x1FD80];
	_ =	sdelay $0x2  }
0xdf: {  	v8 =	vmul.f32 v11, v8  }
0xe0: {  	v2 =	vadd.f32 v3, v2  }
0xe1: {  	v3 =	vmul.f32 v7, v12;
	v7 =	vld [tilespmem:$0x1FDA0];
	v0 =	vadd.f32 v8, v0;
	v5 =	vmul.f32 v9, v5;
	_ =	sdelay $0x1  }
0xe2: {  	v0 =	vadd.f32 v5, v0;
	v5 =	vld [tilespmem:$0x1FDD0];
	_ =	sdelay $0x1  }
0xe3: {  	v8 =	vld [tilespmem:$0x1FDC0]  }
0xe4: {  	v4 =	vadd.f32 v27, v4;
	v1 =	vadd.f32 v7, v1;
	v7 =	vld [tilespmem:$0x1FDB0];
	_ =	sdelay $0x1  }
0xe5: {  	v4 =	vadd.f32 v5, v4;
	v5 =	vld [tilespmem:$0x1FDE0];
	_ =	sdelay $0x1  }
0xe6: {  	v2 =	vadd.f32 v3, v2;
	v3 =	vmul.f32 v6, v10  }
0xe7: {  	v7 =	vmul.f32 v8, v7  }
0xe8: {  	v2 =	vadd.f32 v3, v2  }
0xe9: {  	v0 =	vadd.f32 v7, v0;
	v1 =	vadd.f32 v5, v1;
	_ =	sdelay $0x1  }
0xea: {  	v0 =	vadd.f32 v2, v0;
	v1 =	vadd.f32 v1, v4;
	_ =	sdelay $0x1  }
0xeb: {  	v0 =	vadd.f32 v0, v1;
	_ =	sdelay $0x1  }
0xec: {  	v0 =	vsub.f32 $0.0e+00, v0;
	_ =	sdelay $0x1  }
0xed: {  	v0 =	vmul.f32 $1.442695020e+00, v0;
	_ =	sdelay $0x1  }
0xee: {  	(erf) = vpow2.f32 v0;
	_ =	sdelay $0x8  }
0xef: {  	v0 =	vpop (erf)  }
0xf0: {  	v0 =	vadd.f32 $1.000000000e+00, v0;
	_ =	sdelay $0x1  }
0xf1: {  	v1 =	vld [tilespmem:$0x1FFF0];
	(erf) = vrcp.f32 v0;
	_ =	sdelay $0x1  }
0xf2: {  	s29 =	simm.s32 $0x10  }
0xf3: {  	v0 =	vmov s29  }
0xf4: {  	v0 =	vshll.u32 v0, $0x6  }
0xf5: {  	v9 =	vor.u32 v1, v0  }
0xf6: {  	v0 =	vor.u32 $0x3C, v9;
	_ =	sdelay $0x1  }
0xf7: {  	v1 =	vor.u32 $0x3D, v9  }
0xf8: {  	v2 =	vpop (erf)  }
0xf9: {  	[tilespmem:s26+$0x0] =	vst v2  }
0xfa: {  	v30 =	vld.idx.msk [tilespmem:v0+s12+$0x0], $0xffff  }
0xfb: {  	v3 =	vor.u32 $0x3E, v9;
	v31 =	vld.idx.msk [tilespmem:v0+s13+$0x0], $0xffff  }
0xfc: {  	v0 =	vld.idx.msk [tilespmem:v1+s12+$0x0], $0xffff  }
0xfd: {  	v1 =	vld.idx.msk [tilespmem:v1+s13+$0x0], $0xffff;
	_ =	sdelay $0x2  }
0xfe: {  	v4 =	vor.u32 $0x38, v9;
	v2 =	vld.idx.msk [tilespmem:v3+s13+$0x0], $0xffff;
	_ =	sdelay $0x1  }
0xff: {  	[tilespmem:$0x1FF70] =	vst v1;
	v1 =	vld.idx.msk [tilespmem:v3+s12+$0x0], $0xffff;
	_ =	sdelay $0x1  }
0x100: {  	[tilespmem:$0x1FF60] =	vst v0  }
0x101: {  	v0 =	vor.u32 $0x39, v9;
	[tilespmem:$0x1FE00] =	vst v2;
	v2 =	vld.idx.msk [tilespmem:v4+s12+$0x0], $0xffff;
	_ =	sdelay $0x1  }
0x102: {  	[tilespmem:$0x1FDF0] =	vst v1;
	v1 =	vor.u32 $0x3A, v9;
	_ =	sdelay $0x2  }
0x103: {  	[tilespmem:$0x1FF90] =	vst v2;
	v2 =	vld.idx.msk [tilespmem:v0+s12+$0x0], $0xffff  }
0x104: {  	v29 =	vld.idx.msk [tilespmem:v0+s13+$0x0], $0xffff  }
0x105: {  	v0 =	vld.idx.msk [tilespmem:v1+s12+$0x0], $0xffff  }
0x106: {  	v3 =	vor.u32 $0x34, v9  }
0x107: {  	v1 =	vld.idx.msk [tilespmem:v1+s13+$0x0], $0xffff  }
0x108: {  	v6 =	vld.idx.msk [tilespmem:v4+s13+$0x0], $0xffff;
	v4 =	vor.u32 $0x35, v9;
	_ =	sdelay $0x1  }
0x109: {  	[tilespmem:$0x1FE10] =	vst v0;
	v0 =	vor.u32 $0x36, v9  }
0x10a: {  	v28 =	vld.idx.msk [tilespmem:v3+s12+$0x0], $0xffff  }
0x10b: {  	v27 =	vld.idx.msk [tilespmem:v3+s13+$0x0], $0xffff;
	[tilespmem:$0x1FE20] =	vst v1;
	v1 =	vor.u32 $0x30, v9  }
0x10c: {  	v26 =	vld.idx.msk [tilespmem:v4+s12+$0x0], $0xffff  }
0x10d: {  	v3 =	vor.u32 $0x31, v9;
	v24 =	vld.idx.msk [tilespmem:v4+s13+$0x0], $0xffff  }
0x10e: {  	[tilespmem:$0x1FFB0] =	vst v2;
	v2 =	vld.idx.msk [tilespmem:v0+s12+$0x0], $0xffff  }
0x10f: {  	v4 =	vor.u32 $0x32, v9;
	v0 =	vld.idx.msk [tilespmem:v0+s13+$0x0], $0xffff  }
0x110: {  	v32 =	vld.idx.msk [tilespmem:v1+s12+$0x0], $0xffff  }
0x111: {  	v33 =	vld.idx.msk [tilespmem:v1+s13+$0x0], $0xffff;
	v1 =	vor.u32 $0x2D, v9  }
0x112: {  	v34 =	vld.idx.msk [tilespmem:v3+s12+$0x0], $0xffff  }
0x113: {  	v35 =	vld.idx.msk [tilespmem:v3+s13+$0x0], $0xffff;
	v3 =	vor.u32 $0x2E, v9  }
0x114: {  	[tilespmem:$0x1FE30] =	vst v2;
	v2 =	vld.idx.msk [tilespmem:v4+s12+$0x0], $0xffff  }
0x115: {  	[tilespmem:$0x1FE40] =	vst v0;
	v0 =	vor.u32 $0x2C, v9  }
0x116: {  	v38 =	vld.idx.msk [tilespmem:v1+s12+$0x0], $0xffff  }
0x117: {  	v39 =	vld.idx.msk [tilespmem:v1+s13+$0x0], $0xffff  }
0x118: {  	v1 =	vld.idx.msk [tilespmem:v3+s12+$0x0], $0xffff  }
0x119: {  	[tilespmem:$0x1FE50] =	vst v2;
	v2 =	vld.idx.msk [tilespmem:v4+s13+$0x0], $0xffff  }
0x11a: {  	v36 =	vld.idx.msk [tilespmem:v0+s12+$0x0], $0xffff  }
0x11b: {  	v37 =	vld.idx.msk [tilespmem:v0+s13+$0x0], $0xffff;
	v0 =	vor.u32 $0x29, v9;
	_ =	sdelay $0x1  }
0x11c: {  	[tilespmem:$0x1FE70] =	vst v1;
	v1 =	vor.u32 $0x2A, v9  }
0x11d: {  	v4 =	vor.u32 $0x28, v9  }
0x11e: {  	[tilespmem:$0x1FE60] =	vst v2;
	v2 =	vld.idx.msk [tilespmem:v3+s13+$0x0], $0xffff  }
0x11f: {  	v44 =	vld.idx.msk [tilespmem:v0+s12+$0x0], $0xffff  }
0x120: {  	v45 =	vld.idx.msk [tilespmem:v0+s13+$0x0], $0xffff  }
0x121: {  	v0 =	vld.idx.msk [tilespmem:v1+s12+$0x0], $0xffff  }
0x122: {  	v41 =	vld.idx.msk [tilespmem:v4+s12+$0x0], $0xffff;
	v3 =	vor.u32 $0x24, v9  }
0x123: {  	v1 =	vld.idx.msk [tilespmem:v1+s13+$0x0], $0xffff  }
0x124: {  	v43 =	vld.idx.msk [tilespmem:v4+s13+$0x0], $0xffff;
	v4 =	vor.u32 $0x25, v9;
	_ =	sdelay $0x1  }
0x125: {  	[tilespmem:$0x1FE90] =	vst v0;
	v0 =	vor.u32 $0x26, v9  }
0x126: {  	v46 =	vld.idx.msk [tilespmem:v3+s12+$0x0], $0xffff  }
0x127: {  	[tilespmem:$0x1FEA0] =	vst v1;
	v1 =	vor.u32 $0x20, v9;
	v48 =	vld.idx.msk [tilespmem:v3+s13+$0x0], $0xffff  }
0x128: {  	v47 =	vld.idx.msk [tilespmem:v4+s12+$0x0], $0xffff  }
0x129: {  	v3 =	vor.u32 $0x21, v9;
	v49 =	vld.idx.msk [tilespmem:v4+s13+$0x0], $0xffff  }
0x12a: {  	[tilespmem:$0x1FE80] =	vst v2;
	v2 =	vld.idx.msk [tilespmem:v0+s12+$0x0], $0xffff  }
0x12b: {  	v4 =	vor.u32 $0x22, v9;
	v0 =	vld.idx.msk [tilespmem:v0+s13+$0x0], $0xffff  }
0x12c: {  	v50 =	vld.idx.msk [tilespmem:v1+s12+$0x0], $0xffff  }
0x12d: {  	v51 =	vld.idx.msk [tilespmem:v1+s13+$0x0], $0xffff;
	v1 =	vor.u32 $0x1D, v9  }
0x12e: {  	v52 =	vld.idx.msk [tilespmem:v3+s12+$0x0], $0xffff  }
0x12f: {  	v53 =	vld.idx.msk [tilespmem:v3+s13+$0x0], $0xffff;
	v3 =	vor.u32 $0x1E, v9  }
0x130: {  	[tilespmem:$0x1FEB0] =	vst v2;
	v2 =	vld.idx.msk [tilespmem:v4+s12+$0x0], $0xffff  }
0x131: {  	[tilespmem:$0x1FEC0] =	vst v0;
	v0 =	vor.u32 $0x1C, v9  }
0x132: {  	v57 =	vld.idx.msk [tilespmem:v1+s12+$0x0], $0xffff  }
0x133: {  	v59 =	vld.idx.msk [tilespmem:v1+s13+$0x0], $0xffff  }
0x134: {  	v1 =	vld.idx.msk [tilespmem:v3+s12+$0x0], $0xffff  }
0x135: {  	[tilespmem:$0x1FED0] =	vst v2;
	v2 =	vld.idx.msk [tilespmem:v4+s13+$0x0], $0xffff  }
0x136: {  	v55 =	vld.idx.msk [tilespmem:v0+s12+$0x0], $0xffff  }
0x137: {  	v58 =	vld.idx.msk [tilespmem:v0+s13+$0x0], $0xffff;
	v0 =	vor.u32 $0x19, v9;
	_ =	sdelay $0x1  }
0x138: {  	[tilespmem:$0x1FEF0] =	vst v1;
	v1 =	vor.u32 $0x1A, v9;
	_ =	sdelay $0x1  }
0x139: {  	[tilespmem:$0x1FEE0] =	vst v2;
	v2 =	vld.idx.msk [tilespmem:v3+s13+$0x0], $0xffff  }
0x13a: {  	v62 =	vld.idx.msk [tilespmem:v0+s12+$0x0], $0xffff  }
0x13b: {  	v4 =	vor.u32 $0x18, v9;
	v63 =	vld.idx.msk [tilespmem:v0+s13+$0x0], $0xffff  }
0x13c: {  	v0 =	vld.idx.msk [tilespmem:v1+s12+$0x0], $0xffff  }
0x13d: {  	v3 =	vor.u32 $0x14, v9;
	v1 =	vld.idx.msk [tilespmem:v1+s13+$0x0], $0xffff;
	_ =	sdelay $0x2  }
0x13e: {  	v60 =	vld.idx.msk [tilespmem:v4+s12+$0x0], $0xffff  }
0x13f: {  	v61 =	vld.idx.msk [tilespmem:v4+s13+$0x0], $0xffff  }
0x140: {  	[tilespmem:$0x1FF20] =	vst v1;
	v1 =	vld.idx.msk [tilespmem:v3+s12+$0x0], $0xffff  }
0x141: {  	v4 =	vld.idx.msk [tilespmem:v3+s13+$0x0], $0xffff;
	v3 =	vor.u32 $0x10, v9;
	_ =	sdelay $0x4  }
0x142: {  	v12 =	vld.idx.msk [tilespmem:v3+s12+$0x0], $0xffff  }
0x143: {  	v13 =	vld.idx.msk [tilespmem:v3+s13+$0x0], $0xffff;
	v3 =	vor.u32 $0xC, v9;
	_ =	sdelay $0x4  }
0x144: {  	v16 =	vld.idx.msk [tilespmem:v3+s12+$0x0], $0xffff  }
0x145: {  	v17 =	vld.idx.msk [tilespmem:v3+s13+$0x0], $0xffff;
	v3 =	vor.u32 $0x8, v9;
	_ =	sdelay $0x3  }
0x146: {  	[tilespmem:$0x1FF10] =	vst v0;
	v0 =	vor.u32 $0x16, v9  }
0x147: {  	v20 =	vld.idx.msk [tilespmem:v3+s12+$0x0], $0xffff  }
0x148: {  	v21 =	vld.idx.msk [tilespmem:v3+s13+$0x0], $0xffff;
	v3 =	vor.u32 $0x4, v9;
	_ =	sdelay $0x2  }
0x149: {  	[tilespmem:$0x1FF00] =	vst v2;
	v2 =	vld.idx.msk [tilespmem:v0+s12+$0x0], $0xffff  }
0x14a: {  	v10 =	vor.u32 $0x11, v9;
	v0 =	vld.idx.msk [tilespmem:v0+s13+$0x0], $0xffff  }
0x14b: {  	v23 =	vld.idx.msk [tilespmem:v3+s12+$0x0], $0xffff  }
0x14c: {  	v25 =	vld.idx.msk [tilespmem:v3+s13+$0x0], $0xffff;
	v3 =	vmul.f32 v31, v30  }
0x14d: {  	v30 =	vld [tilespmem:$0x1FF70]  }
0x14e: {  	[tilespmem:$0x1FF50] =	vst v3;
	v3 =	vld [tilespmem:$0x1FF60]  }
0x14f: {  	v14 =	vld.idx.msk [tilespmem:v10+s12+$0x0], $0xffff  }
0x150: {  	v15 =	vld.idx.msk [tilespmem:v10+s13+$0x0], $0xffff;
	v10 =	vor.u32 $0xD, v9;
	_ =	sdelay $0x1  }
0x151: {  	[tilespmem:$0x1FF40] =	vst v0;
	v0 =	vor.u32 $0x12, v9  }
0x152: {  	v3 =	vmul.f32 v30, v3;
	v30 =	vld [tilespmem:$0x1FF90]  }
0x153: {  	v8 =	vor.u32 $0x15, v9  }
0x154: {  	v18 =	vld.idx.msk [tilespmem:v10+s12+$0x0], $0xffff  }
0x155: {  	v19 =	vld.idx.msk [tilespmem:v10+s13+$0x0], $0xffff  }
0x156: {  	v10 =	vor.u32 $0x9, v9;
	v40 =	vld.idx.msk [tilespmem:v0+s12+$0x0], $0xffff  }
0x157: {  	v42 =	vld.idx.msk [tilespmem:v0+s13+$0x0], $0xffff;
	v0 =	vor.u32 $0xE, v9;
	v6 =	vmul.f32 v6, v30  }
0x158: {  	v5 =	vld.idx.msk [tilespmem:v8+s12+$0x0], $0xffff  }
0x159: {  	[tilespmem:$0x1FFA0] =	vst v6;
	v6 =	vld [tilespmem:$0x1FFB0]  }
0x15a: {  	v8 =	vld.idx.msk [tilespmem:v8+s13+$0x0], $0xffff;
	[tilespmem:$0x1FF30] =	vst v2;
	v2 =	vor.u32 $0x5, v9  }
0x15b: {  	v22 =	vld.idx.msk [tilespmem:v10+s13+$0x0], $0xffff  }
0x15c: {  	v11 =	vor.u32 $0xA, v9;
	v54 =	vld.idx.msk [tilespmem:v0+s12+$0x0], $0xffff  }
0x15d: {  	v56 =	vld.idx.msk [tilespmem:v0+s13+$0x0], $0xffff  }
0x15e: {  	v7 =	vor.u32 $0x6, v9;
	v0 =	vld.idx.msk [tilespmem:v10+s12+$0x0], $0xffff;
	v6 =	vmul.f32 v29, v6  }
0x15f: {  	[tilespmem:$0x1FF80] =	vst v3;
	v3 =	vld.idx.msk [tilespmem:v2+s12+$0x0], $0xffff  }
0x160: {  	[tilespmem:$0x1FFC0] =	vst v6;
	v6 =	vld.idx.msk [tilespmem:v2+s13+$0x0], $0xffff;
	v2 =	vmul.f32 v27, v28  }
0x161: {  	v10 =	vld.idx.msk [tilespmem:v11+s12+$0x0], $0xffff  }
0x162: {  	v11 =	vld.idx.msk [tilespmem:v11+s13+$0x0], $0xffff;
	[tilespmem:$0x1FFD0] =	vst v2;
	v2 =	vmul.f32 v24, v26  }
0x163: {  	v29 =	vor.u32 $0x3B, v9;
	v24 =	vld.idx.msk [tilespmem:v7+s13+$0x0], $0xffff  }
0x164: {  	s30 =	simm.s32 $0x20;
	s29 =	simm.s32 $0x10400;
	v28 =	vor.u32 $0x1, v9;
	v27 =	vor.u32 $0x2, v9;
	v26 =	vor.u32 $0x3F, v9;
	[tilespmem:$0x1FFE0] =	vst v2;
	v2 =	vld.idx.msk [tilespmem:v7+s12+$0x0], $0xffff  }
.LBB2_2:
0x165: {  	_ =	sdelay $0x1  }
0x166: {  	v30 =	vld.idx.msk [tilespmem:v9+s13+$0x0], $0xffff;
	v7 =	vmul.f32 v33, v32;
	v31 =	vmul.f32 v39, v38  }
0x167: {  	v32 =	vld.idx.msk [tilespmem:v9+s12+$0x0], $0xffff;
	v33 =	vor.u32 $0x3, v9;
	v41 =	vmul.f32 v43, v41;
	v43 =	vmul.f32 v45, v44  }
0x168: {  	v45 =	vld.idx.msk [tilespmem:v27+s12+$0x0], $0xffff;
	v57 =	vmul.f32 v59, v57;
	v59 =	vmul.f32 v61, v60  }
0x169: {  	v44 =	vor.u32 $0x7, v9;
	v27 =	vld.idx.msk [tilespmem:v27+s13+$0x0], $0xffff;
	v60 =	vmul.f32 v63, v62;
	v1 =	vmul.f32 v4, v1;
	[tilespmem:$0x1FB90] =	vst v7  }
0x16a: {  	v61 =	vor.u32 $0x2B, v9;
	v4 =	vmul.f32 v8, v5;
	v7 =	vmul.f32 v35, v34;
	[tilespmem:$0x1FB80] =	vst v31;
	v31 =	vld.idx.msk [tilespmem:v28+s12+$0x0], $0xffff  }
0x16b: {  	v62 =	vor.u32 $0xF, v9;
	v35 =	vmul.f32 v37, v36;
	v28 =	vld.idx.msk [tilespmem:v28+s13+$0x0], $0xffff;
	v36 =	vmul.f32 v48, v46  }
0x16c: {  	v37 =	vmul.f32 v49, v47;
	v47 =	vor.u32 $0xB, v9;
	v48 =	vmul.f32 v58, v55;
	v58 =	vld.idx.msk [tilespmem:v33+s12+$0x0], $0xffff  }
0x16d: {  	v8 =	vmul.f32 v13, v12;
	v12 =	vmul.f32 v15, v14;
	v13 =	vor.u32 $0x27, v9;
	v33 =	vld.idx.msk [tilespmem:v33+s13+$0x0], $0xffff  }
0x16e: {  	v34 =	vor.u32 $0x33, v9;
	v46 =	vor.u32 $0x2F, v9;
	v15 =	vmul.f32 v17, v16;
	v5 =	vld.idx.msk [tilespmem:v44+s12+$0x0], $0xffff  }
0x16f: {  	v16 =	vmul.f32 v19, v18;
	v17 =	vor.u32 $0x13, v9;
	v18 =	vmul.f32 v21, v20;
	v14 =	vld.idx.msk [tilespmem:v44+s13+$0x0], $0xffff  }
0x170: {  	[tilespmem:$0x1FBA0] =	vst v7;
	v7 =	vor.u32 $0x37, v9;
	v0 =	vmul.f32 v22, v0;
	v21 =	vmul.f32 v25, v23;
	v63 =	vld.idx.msk [tilespmem:v62+s13+$0x0], $0xffff  }
0x171: {  	v3 =	vmul.f32 v6, v3;
	v22 =	vor.u32 $0x17, v9;
	v23 =	vmul.f32 v30, v32;
	v19 =	vld.idx.msk [tilespmem:v47+s12+$0x0], $0xffff  }
0x172: {  	v20 =	vor.u32 $0x23, v9;
	v27 =	vmul.f32 v27, v45;
	v6 =	vld.idx.msk [tilespmem:v47+s13+$0x0], $0xffff;
	v25 =	vmul.f32 v28, v31  }
0x173: {  	v30 =	vor.u32 $0x1F, v9;
	v9 =	vor.u32 $0x1B, v9;
	v28 =	vld.idx.msk [tilespmem:v62+s12+$0x0], $0xffff;
	v23 =	vadd.f32 $0.0e+00, v23  }
0x174: {  	v2 =	vmul.f32 v24, v2;
	v27 =	vadd.f32 $0.0e+00, v27;
	v25 =	vadd.f32 $0.0e+00, v25;
	v24 =	vld.idx.msk [tilespmem:v17+s12+$0x0], $0xffff  }
0x175: {  	v31 =	vmul.f32 v33, v58;
	v5 =	vmul.f32 v14, v5;
	v14 =	vld.idx.msk [tilespmem:v17+s13+$0x0], $0xffff;
	v17 =	vadd.f32 v21, v23  }
0x176: {  	v10 =	vmul.f32 v11, v10;
	v11 =	vld.idx.msk [tilespmem:v22+s12+$0x0], $0xffff;
	v2 =	vadd.f32 v2, v27;
	v3 =	vadd.f32 v3, v25  }
0x177: {  	v31 =	vadd.f32 $0.0e+00, v31;
	v6 =	vmul.f32 v6, v19;
	v19 =	vld.idx.msk [tilespmem:v22+s13+$0x0], $0xffff;
	v17 =	vadd.f32 v18, v17  }
0x178: {  	v2 =	vadd.f32 v10, v2;
	v18 =	vld.idx.msk [tilespmem:v9+s12+$0x0], $0xffff;
	v0 =	vadd.f32 v0, v3  }
0x179: {  	v9 =	vld.idx.msk [tilespmem:v9+s13+$0x0], $0xffff;
	v5 =	vadd.f32 v5, v31;
	v10 =	vadd.f32 v15, v17  }
0x17a: {  	v3 =	vmul.f32 v56, v54;
	v0 =	vadd.f32 v16, v0;
	v16 =	vld.idx.msk [tilespmem:v30+s12+$0x0], $0xffff  }
0x17b: {  	v5 =	vadd.f32 v6, v5;
	v6 =	vmul.f32 v63, v28;
	v8 =	vadd.f32 v8, v10;
	v10 =	vld [tilespmem:$0x1FF30]  }
0x17c: {  	v0 =	vadd.f32 v12, v0;
	v12 =	vld [tilespmem:$0x1FF40]  }
0x17d: {  	v2 =	vadd.f32 v3, v2;
	v3 =	vadd.f32 v6, v5;
	v6 =	vld.idx.msk [tilespmem:v30+s13+$0x0], $0xffff  }
0x17e: {  	v1 =	vadd.f32 v1, v8;
	v8 =	vld [tilespmem:$0x1FF20]  }
0x17f: {  	v5 =	vmul.f32 v14, v24;
	v0 =	vadd.f32 v4, v0;
	v4 =	vld [tilespmem:$0x1FF10]  }
0x180: {  	v14 =	vld [tilespmem:$0x1FEE0]  }
0x181: {  	v15 =	vmul.f32 v42, v40;
	v3 =	vadd.f32 v5, v3;
	v5 =	vmul.f32 v19, v11;
	v11 =	vld.idx.msk [tilespmem:v20+s13+$0x0], $0xffff  }
0x182: {  	v10 =	vmul.f32 v12, v10;
	v12 =	vld.idx.msk [tilespmem:v20+s12+$0x0], $0xffff  }
0x183: {  	v2 =	vadd.f32 v15, v2;
	v3 =	vadd.f32 v5, v3;
	v5 =	vmul.f32 v9, v18;
	v9 =	vld.idx.msk [tilespmem:v13+s13+$0x0], $0xffff  }
0x184: {  	v4 =	vmul.f32 v8, v4;
	v8 =	vld.idx.msk [tilespmem:v13+s12+$0x0], $0xffff  }
0x185: {  	v2 =	vadd.f32 v10, v2;
	v10 =	vld [tilespmem:$0x1FEF0]  }
0x186: {  	v13 =	vld [tilespmem:$0x1FF00]  }
0x187: {  	v3 =	vadd.f32 v5, v3;
	v5 =	vld.idx.msk [tilespmem:v61+s13+$0x0], $0xffff;
	v2 =	vadd.f32 v4, v2;
	v4 =	vmul.f32 v6, v16  }
0x188: {  	v6 =	vld [tilespmem:$0x1FED0]  }
0x189: {  	v3 =	vadd.f32 v4, v3;
	v4 =	vmul.f32 v11, v12;
	v11 =	vld [tilespmem:$0x1FEB0]  }
0x18a: {  	v12 =	vld [tilespmem:$0x1FEC0]  }
0x18b: {  	v10 =	vmul.f32 v13, v10;
	v13 =	vld.idx.msk [tilespmem:v61+s12+$0x0], $0xffff  }
0x18c: {  	v3 =	vadd.f32 v4, v3;
	v4 =	vmul.f32 v9, v8;
	v8 =	vld [tilespmem:$0x1FE90]  }
0x18d: {  	v9 =	vld [tilespmem:$0x1FEA0];
	_ =	sdelay $0x2  }
0x18e: {  	v6 =	vmul.f32 v14, v6;
	v2 =	vadd.f32 v10, v2  }
0x18f: {  	v3 =	vadd.f32 v4, v3;
	v4 =	vmul.f32 v5, v13;
	v5 =	vld.idx.msk [tilespmem:v7+s13+$0x0], $0xffff  }
0x190: {  	v11 =	vmul.f32 v12, v11;
	v2 =	vadd.f32 v6, v2;
	v8 =	vmul.f32 v9, v8;
	v9 =	vld.idx.msk [tilespmem:v7+s12+$0x0], $0xffff  }
0x191: {  	v7 =	vld [tilespmem:$0x1FE70]  }
0x192: {  	v1 =	vadd.f32 v59, v1;
	v2 =	vadd.f32 v11, v2;
	v11 =	vld [tilespmem:$0x1FE80];
	_ =	sdelay $0x1  }
0x193: {  	v38 =	vmul.f32 v51, v50;
	v1 =	vadd.f32 v48, v1  }
0x194: {  	v14 =	vld.idx.msk [tilespmem:v46+s12+$0x0], $0xffff  }
0x195: {  	v1 =	vadd.f32 v38, v1;
	v10 =	vld.idx.msk [tilespmem:v46+s13+$0x0], $0xffff  }
0x196: {  	v0 =	vadd.f32 v60, v0;
	v12 =	vld.idx.msk [tilespmem:v34+s12+$0x0], $0xffff;
	v2 =	vadd.f32 v8, v2;
	v7 =	vmul.f32 v11, v7  }
0x197: {  	v1 =	vadd.f32 v36, v1;
	v6 =	vld.idx.msk [tilespmem:v34+s13+$0x0], $0xffff  }
0x198: {  	v39 =	vmul.f32 v53, v52;
	v0 =	vadd.f32 v57, v0;
	v2 =	vadd.f32 v7, v2;
	v7 =	vld [tilespmem:$0x1FB90]  }
0x199: {  	v1 =	vadd.f32 v41, v1  }
0x19a: {  	v0 =	vadd.f32 v39, v0;
	v3 =	vadd.f32 v4, v3;
	v4 =	vmul.f32 v10, v14  }
0x19b: {  	v1 =	vadd.f32 v35, v1;
	v10 =	vld [tilespmem:$0x1FB80]  }
0x19c: {  	v0 =	vadd.f32 v37, v0;
	v3 =	vadd.f32 v4, v3;
	v4 =	vmul.f32 v6, v12  }
0x19d: {  	v1 =	vadd.f32 v7, v1;
	v7 =	vld [tilespmem:$0x1FBA0]  }
0x19e: {  	v0 =	vadd.f32 v43, v0;
	v3 =	vadd.f32 v4, v3;
	v4 =	vmul.f32 v5, v9;
	v5 =	vld [tilespmem:$0x1FFD0]  }
0x19f: {  	v13 =	vld [tilespmem:$0x1FE60]  }
0x1a0: {  	v0 =	vadd.f32 v10, v0;
	v10 =	vld [tilespmem:$0x1FE50]  }
0x1a1: {  	v12 =	vld [tilespmem:$0x1FE40]  }
0x1a2: {  	v0 =	vadd.f32 v7, v0;
	v7 =	vld [tilespmem:$0x1FE30]  }
0x1a3: {  	v1 =	vadd.f32 v5, v1;
	v5 =	vld [tilespmem:$0x1FFE0];
	_ =	sdelay $0x1  }
0x1a4: {  	v10 =	vmul.f32 v13, v10;
	_ =	sdelay $0x1  }
0x1a5: {  	v9 =	vld [tilespmem:$0x1FE20];
	v2 =	vadd.f32 v10, v2;
	v7 =	vmul.f32 v12, v7  }
0x1a6: {  	v0 =	vadd.f32 v5, v0;
	v5 =	vld [tilespmem:$0x1FE10]  }
0x1a7: {  	v2 =	vadd.f32 v7, v2;
	v7 =	vld [tilespmem:$0x1FFA0];
	_ =	sdelay $0x1  }
0x1a8: {  	v8 =	vld.idx.msk [tilespmem:v29+s13+$0x0], $0xffff  }
0x1a9: {  	v11 =	vld.idx.msk [tilespmem:v29+s12+$0x0], $0xffff;
	_ =	sdelay $0x1  }
0x1aa: {  	v5 =	vmul.f32 v9, v5;
	v1 =	vadd.f32 v7, v1;
	v7 =	vld [tilespmem:$0x1FFC0]  }
0x1ab: {  	v6 =	vld.idx.msk [tilespmem:v26+s13+$0x0], $0xffff  }
0x1ac: {  	v2 =	vadd.f32 v5, v2;
	v5 =	vld [tilespmem:$0x1FF50]  }
0x1ad: {  	v3 =	vadd.f32 v4, v3;
	v4 =	vmul.f32 v8, v11;
	v8 =	vld [tilespmem:$0x1FE00]  }
0x1ae: {  	v13 =	vld.idx.msk [tilespmem:v26+s12+$0x0], $0xffff  }
0x1af: {  	v0 =	vadd.f32 v7, v0;
	v7 =	vld [tilespmem:$0x1FDF0];
	_ =	sdelay $0x1  }
0x1b0: {  	v1 =	vadd.f32 v5, v1;
	v5 =	vld [tilespmem:$0x1FF80];
	_ =	sdelay $0x1  }
0x1b1: {  	v3 =	vadd.f32 v4, v3;
	v4 =	vmul.f32 v6, v13  }
0x1b2: {  	v7 =	vmul.f32 v8, v7  }
0x1b3: {  	v3 =	vadd.f32 v4, v3  }
0x1b4: {  	v0 =	vadd.f32 v5, v0;
	v2 =	vadd.f32 v7, v2;
	_ =	sdelay $0x1  }
0x1b5: {  	v0 =	vadd.f32 v0, v1;
	v1 =	vadd.f32 v3, v2;
	_ =	sdelay $0x1  }
0x1b6: {  	v0 =	vadd.f32 v1, v0;
	_ =	sdelay $0x1  }
0x1b7: {  	v0 =	vsub.f32 $0.0e+00, v0;
	_ =	sdelay $0x1  }
0x1b8: {  	v0 =	vmul.f32 $1.442695020e+00, v0;
	_ =	sdelay $0x1  }
0x1b9: {  	(erf) = vpow2.f32 v0;
	_ =	sdelay $0x8  }
0x1ba: {  	v0 =	vpop (erf)  }
0x1bb: {  	v0 =	vadd.f32 $1.000000000e+00, v0;
	_ =	sdelay $0x1  }
0x1bc: {  	v1 =	vld [tilespmem:$0x1FFF0];
	(erf) = vrcp.f32 v0;
	_ =	sdelay $0x2  }
0x1bd: {  	v0 =	vmov s30  }
0x1be: {  	v0 =	vshll.u32 v0, $0x6  }
0x1bf: {  	v9 =	vor.u32 v1, v0  }
0x1c0: {  	v0 =	vor.u32 $0x3C, v9;
	_ =	sdelay $0x1  }
0x1c1: {  	v1 =	vor.u32 $0x3D, v9  }
0x1c2: {  	s29 =	sadd.s32 $0x10, s29;
	v2 =	vpop (erf)  }
0x1c3: {  	v3 =	vor.u32 $0x3E, v9;
	[tilespmem:s29+$0x0] =	vst v2  }
0x1c4: {  	v27 =	vld.idx.msk [tilespmem:v0+s12+$0x0], $0xffff  }
0x1c5: {  	v31 =	vld.idx.msk [tilespmem:v0+s13+$0x0], $0xffff  }
0x1c6: {  	v0 =	vld.idx.msk [tilespmem:v1+s12+$0x0], $0xffff  }
0x1c7: {  	v2 =	vld.idx.msk [tilespmem:v1+s13+$0x0], $0xffff  }
0x1c8: {  	v1 =	vld.idx.msk [tilespmem:v3+s12+$0x0], $0xffff  }
0x1c9: {  	v4 =	vor.u32 $0x38, v9;
	v3 =	vld.idx.msk [tilespmem:v3+s13+$0x0], $0xffff;
	_ =	sdelay $0x1  }
0x1ca: {  	[tilespmem:$0x1FBB0] =	vst v0;
	v0 =	vor.u32 $0x39, v9;
	_ =	sdelay $0x1  }
0x1cb: {  	[tilespmem:$0x1FDF0] =	vst v1;
	v1 =	vor.u32 $0x3A, v9  }
0x1cc: {  	[tilespmem:$0x1FE00] =	vst v3;
	v3 =	vld.idx.msk [tilespmem:v4+s12+$0x0], $0xffff;
	_ =	sdelay $0x1  }
0x1cd: {  	v29 =	vld.idx.msk [tilespmem:v0+s12+$0x0], $0xffff  }
0x1ce: {  	v24 =	vld.idx.msk [tilespmem:v0+s13+$0x0], $0xffff  }
0x1cf: {  	v0 =	vld.idx.msk [tilespmem:v1+s12+$0x0], $0xffff  }
0x1d0: {  	[tilespmem:$0x1FBC0] =	vst v3;
	v3 =	vor.u32 $0x34, v9;
	v1 =	vld.idx.msk [tilespmem:v1+s13+$0x0], $0xffff  }
0x1d1: {  	v4 =	vld.idx.msk [tilespmem:v4+s13+$0x0], $0xffff;
	_ =	sdelay $0x3  }
0x1d2: {  	[tilespmem:$0x1FE20] =	vst v1;
	v1 =	vld.idx.msk [tilespmem:v3+s12+$0x0], $0xffff  }
0x1d3: {  	[tilespmem:$0x1FBD0] =	vst v4;
	v4 =	vor.u32 $0x35, v9;
	v3 =	vld.idx.msk [tilespmem:v3+s13+$0x0], $0xffff;
	_ =	sdelay $0x1  }
0x1d4: {  	[tilespmem:$0x1FE10] =	vst v0;
	v0 =	vor.u32 $0x36, v9;
	_ =	sdelay $0x2  }
0x1d5: {  	[tilespmem:$0x1FBF0] =	vst v3;
	v3 =	vld.idx.msk [tilespmem:v4+s12+$0x0], $0xffff  }
0x1d6: {  	v7 =	vld.idx.msk [tilespmem:v4+s13+$0x0], $0xffff  }
0x1d7: {  	v4 =	vld.idx.msk [tilespmem:v0+s12+$0x0], $0xffff;
	_ =	sdelay $0x2  }
0x1d8: {  	[tilespmem:$0x1FC00] =	vst v3;
	v3 =	vor.u32 $0x31, v9;
	_ =	sdelay $0x1  }
0x1d9: {  	[tilespmem:$0x1FE30] =	vst v4;
	v4 =	vor.u32 $0x32, v9;
	_ =	sdelay $0x1  }
0x1da: {  	[tilespmem:$0x1FBE0] =	vst v1;
	v1 =	vor.u32 $0x30, v9  }
0x1db: {  	v34 =	vld.idx.msk [tilespmem:v3+s12+$0x0], $0xffff  }
0x1dc: {  	v35 =	vld.idx.msk [tilespmem:v3+s13+$0x0], $0xffff  }
0x1dd: {  	v3 =	vld.idx.msk [tilespmem:v4+s12+$0x0], $0xffff  }
0x1de: {  	v0 =	vld.idx.msk [tilespmem:v0+s13+$0x0], $0xffff  }
0x1df: {  	v32 =	vld.idx.msk [tilespmem:v1+s12+$0x0], $0xffff  }
0x1e0: {  	v33 =	vld.idx.msk [tilespmem:v1+s13+$0x0], $0xffff;
	v1 =	vor.u32 $0x2D, v9;
	_ =	sdelay $0x1  }
0x1e1: {  	[tilespmem:$0x1FE50] =	vst v3;
	v3 =	vor.u32 $0x2E, v9;
	_ =	sdelay $0x1  }
0x1e2: {  	[tilespmem:$0x1FE40] =	vst v0;
	v0 =	vor.u32 $0x2C, v9  }
0x1e3: {  	v38 =	vld.idx.msk [tilespmem:v1+s12+$0x0], $0xffff  }
0x1e4: {  	v39 =	vld.idx.msk [tilespmem:v1+s13+$0x0], $0xffff  }
0x1e5: {  	v1 =	vld.idx.msk [tilespmem:v3+s12+$0x0], $0xffff  }
0x1e6: {  	v4 =	vld.idx.msk [tilespmem:v4+s13+$0x0], $0xffff  }
0x1e7: {  	v36 =	vld.idx.msk [tilespmem:v0+s12+$0x0], $0xffff  }
0x1e8: {  	v37 =	vld.idx.msk [tilespmem:v0+s13+$0x0], $0xffff;
	v0 =	vor.u32 $0x29, v9;
	_ =	sdelay $0x1  }
0x1e9: {  	[tilespmem:$0x1FE70] =	vst v1;
	v1 =	vor.u32 $0x2A, v9;
	_ =	sdelay $0x1  }
0x1ea: {  	[tilespmem:$0x1FE60] =	vst v4;
	v4 =	vor.u32 $0x28, v9  }
0x1eb: {  	v44 =	vld.idx.msk [tilespmem:v0+s12+$0x0], $0xffff  }
0x1ec: {  	v45 =	vld.idx.msk [tilespmem:v0+s13+$0x0], $0xffff  }
0x1ed: {  	v0 =	vld.idx.msk [tilespmem:v1+s12+$0x0], $0xffff  }
0x1ee: {  	v3 =	vld.idx.msk [tilespmem:v3+s13+$0x0], $0xffff  }
0x1ef: {  	v41 =	vld.idx.msk [tilespmem:v4+s12+$0x0], $0xffff  }
0x1f0: {  	v43 =	vld.idx.msk [tilespmem:v4+s13+$0x0], $0xffff;
	v4 =	vor.u32 $0x25, v9;
	_ =	sdelay $0x1  }
0x1f1: {  	[tilespmem:$0x1FE90] =	vst v0;
	v0 =	vor.u32 $0x26, v9;
	_ =	sdelay $0x1  }
0x1f2: {  	[tilespmem:$0x1FE80] =	vst v3;
	v3 =	vor.u32 $0x24, v9  }
0x1f3: {  	v47 =	vld.idx.msk [tilespmem:v4+s12+$0x0], $0xffff  }
0x1f4: {  	v49 =	vld.idx.msk [tilespmem:v4+s13+$0x0], $0xffff  }
0x1f5: {  	v4 =	vld.idx.msk [tilespmem:v0+s12+$0x0], $0xffff  }
0x1f6: {  	v1 =	vld.idx.msk [tilespmem:v1+s13+$0x0], $0xffff  }
0x1f7: {  	v46 =	vld.idx.msk [tilespmem:v3+s12+$0x0], $0xffff  }
0x1f8: {  	v48 =	vld.idx.msk [tilespmem:v3+s13+$0x0], $0xffff;
	v3 =	vor.u32 $0x21, v9;
	_ =	sdelay $0x1  }
0x1f9: {  	[tilespmem:$0x1FEB0] =	vst v4;
	v4 =	vor.u32 $0x22, v9;
	_ =	sdelay $0x1  }
0x1fa: {  	[tilespmem:$0x1FEA0] =	vst v1;
	v1 =	vor.u32 $0x20, v9  }
0x1fb: {  	v52 =	vld.idx.msk [tilespmem:v3+s12+$0x0], $0xffff  }
0x1fc: {  	v53 =	vld.idx.msk [tilespmem:v3+s13+$0x0], $0xffff  }
0x1fd: {  	v6 =	vor.u32 $0x15, v9;
	v3 =	vld.idx.msk [tilespmem:v4+s12+$0x0], $0xffff  }
0x1fe: {  	v0 =	vld.idx.msk [tilespmem:v0+s13+$0x0], $0xffff  }
0x1ff: {  	v50 =	vld.idx.msk [tilespmem:v1+s12+$0x0], $0xffff  }
0x200: {  	v51 =	vld.idx.msk [tilespmem:v1+s13+$0x0], $0xffff;
	v1 =	vor.u32 $0x1D, v9;
	_ =	sdelay $0x1  }
0x201: {  	v5 =	vld.idx.msk [tilespmem:v6+s12+$0x0], $0xffff;
	v27 =	vmul.f32 v31, v27;
	[tilespmem:$0x1FED0] =	vst v3;
	v3 =	vor.u32 $0x1E, v9  }
0x202: {  	v8 =	vld.idx.msk [tilespmem:v6+s13+$0x0], $0xffff;
	[tilespmem:$0x1FEC0] =	vst v0;
	v0 =	vor.u32 $0x1C, v9  }
0x203: {  	[tilespmem:$0x1FF50] =	vst v27;
	v27 =	vld [tilespmem:$0x1FBB0]  }
0x204: {  	v10 =	vor.u32 $0x10, v9;
	v57 =	vld.idx.msk [tilespmem:v1+s12+$0x0], $0xffff  }
0x205: {  	v59 =	vld.idx.msk [tilespmem:v1+s13+$0x0], $0xffff  }
0x206: {  	v1 =	vld.idx.msk [tilespmem:v3+s12+$0x0], $0xffff  }
0x207: {  	v55 =	vld.idx.msk [tilespmem:v0+s12+$0x0], $0xffff  }
0x208: {  	v58 =	vld.idx.msk [tilespmem:v0+s13+$0x0], $0xffff;
	v0 =	vor.u32 $0x19, v9  }
0x209: {  	v12 =	vld.idx.msk [tilespmem:v10+s12+$0x0], $0xffff  }
0x20a: {  	v31 =	vld [tilespmem:$0x1FBD0]  }
0x20b: {  	v2 =	vmul.f32 v2, v27;
	v27 =	vld [tilespmem:$0x1FBC0];
	[tilespmem:$0x1FEF0] =	vst v1;
	v1 =	vor.u32 $0x1A, v9  }
0x20c: {  	v4 =	vld.idx.msk [tilespmem:v4+s13+$0x0], $0xffff  }
0x20d: {  	v30 =	vor.u32 $0x6, v9;
	v62 =	vld.idx.msk [tilespmem:v0+s12+$0x0], $0xffff  }
0x20e: {  	v63 =	vld.idx.msk [tilespmem:v0+s13+$0x0], $0xffff  }
0x20f: {  	v3 =	vld.idx.msk [tilespmem:v3+s13+$0x0], $0xffff  }
0x210: {  	v0 =	vld.idx.msk [tilespmem:v1+s12+$0x0], $0xffff  }
0x211: {  	v13 =	vld.idx.msk [tilespmem:v10+s13+$0x0], $0xffff;
	[tilespmem:$0x1FF80] =	vst v2;
	v24 =	vmul.f32 v24, v29  }
0x212: {  	v2 =	vld.idx.msk [tilespmem:v30+s12+$0x0], $0xffff;
	[tilespmem:$0x1FEE0] =	vst v4;
	v4 =	vor.u32 $0x18, v9  }
0x213: {  	[tilespmem:$0x1FFC0] =	vst v24;
	v24 =	vld.idx.msk [tilespmem:v30+s13+$0x0], $0xffff  }
0x214: {  	v30 =	vld [tilespmem:$0x1FBE0];
	[tilespmem:$0x1FF00] =	vst v3;
	v3 =	vor.u32 $0x14, v9  }
0x215: {  	v27 =	vmul.f32 v31, v27;
	v31 =	vld [tilespmem:$0x1FBF0];
	[tilespmem:$0x1FF10] =	vst v0;
	v0 =	vor.u32 $0x16, v9  }
0x216: {  	v1 =	vld.idx.msk [tilespmem:v1+s13+$0x0], $0xffff  }
0x217: {  	v11 =	vor.u32 $0x9, v9;
	v60 =	vld.idx.msk [tilespmem:v4+s12+$0x0], $0xffff  }
0x218: {  	v10 =	vor.u32 $0xD, v9;
	v61 =	vld.idx.msk [tilespmem:v4+s13+$0x0], $0xffff  }
0x219: {  	v4 =	vld.idx.msk [tilespmem:v3+s13+$0x0], $0xffff  }
0x21a: {  	v6 =	vld.idx.msk [tilespmem:v0+s12+$0x0], $0xffff  }
0x21b: {  	[tilespmem:$0x1FF20] =	vst v1;
	v1 =	vld.idx.msk [tilespmem:v3+s12+$0x0], $0xffff;
	v3 =	vor.u32 $0x11, v9  }
0x21c: {  	v22 =	vld.idx.msk [tilespmem:v11+s13+$0x0], $0xffff  }
0x21d: {  	v23 =	vor.u32 $0xA, v9;
	v18 =	vld.idx.msk [tilespmem:v10+s12+$0x0], $0xffff  }
0x21e: {  	v0 =	vld.idx.msk [tilespmem:v0+s13+$0x0], $0xffff  }
0x21f: {  	v19 =	vld.idx.msk [tilespmem:v10+s13+$0x0], $0xffff;
	[tilespmem:$0x1FF30] =	vst v6;
	v6 =	vor.u32 $0x12, v9  }
0x220: {  	v30 =	vmul.f32 v31, v30;
	v14 =	vld.idx.msk [tilespmem:v3+s12+$0x0], $0xffff  }
0x221: {  	v15 =	vld.idx.msk [tilespmem:v3+s13+$0x0], $0xffff;
	v3 =	vor.u32 $0xE, v9  }
0x222: {  	v10 =	vld.idx.msk [tilespmem:v23+s12+$0x0], $0xffff;
	[tilespmem:$0x1FFD0] =	vst v30  }
0x223: {  	v30 =	vld [tilespmem:$0x1FC00];
	[tilespmem:$0x1FF40] =	vst v0;
	v0 =	vor.u32 $0xC, v9  }
0x224: {  	v40 =	vld.idx.msk [tilespmem:v6+s12+$0x0], $0xffff  }
0x225: {  	v42 =	vld.idx.msk [tilespmem:v6+s13+$0x0], $0xffff;
	v6 =	vor.u32 $0x8, v9  }
0x226: {  	v54 =	vld.idx.msk [tilespmem:v3+s12+$0x0], $0xffff  }
0x227: {  	v56 =	vld.idx.msk [tilespmem:v3+s13+$0x0], $0xffff  }
0x228: {  	v16 =	vld.idx.msk [tilespmem:v0+s12+$0x0], $0xffff  }
0x229: {  	v3 =	vor.u32 $0x4, v9;
	v17 =	vld.idx.msk [tilespmem:v0+s13+$0x0], $0xffff  }
0x22a: {  	v20 =	vld.idx.msk [tilespmem:v6+s12+$0x0], $0xffff  }
0x22b: {  	v21 =	vld.idx.msk [tilespmem:v6+s13+$0x0], $0xffff;
	v6 =	vor.u32 $0x5, v9  }
0x22c: {  	p0 =	sne.s32 s30, $0x1F0;
	v0 =	vld.idx.msk [tilespmem:v11+s12+$0x0], $0xffff  }
.Ltmp0:
0x22d: {  	v11 =	vld.idx.msk [tilespmem:v23+s13+$0x0], $0xffff;
	(pc) =	sbr.rel @p0 .LBB2_2-.Ltmp0, $4  }
0x22e: {  	v23 =	vld.idx.msk [tilespmem:v3+s12+$0x0], $0xffff  }
0x22f: {  	v7 =	vmul.f32 v7, v30;
	v25 =	vld.idx.msk [tilespmem:v3+s13+$0x0], $0xffff  }
0x230: {  	v26 =	vor.u32 $0x3F, v9;
	[tilespmem:$0x1FFA0] =	vst v27;
	v3 =	vld.idx.msk [tilespmem:v6+s12+$0x0], $0xffff  }
0x231: {  	s30 =	sadd.s32 $0x10, s30;
	v28 =	vor.u32 $0x1, v9;
	v29 =	vor.u32 $0x3B, v9;
	v27 =	vor.u32 $0x2, v9;
	[tilespmem:$0x1FFE0] =	vst v7;
	v6 =	vld.idx.msk [tilespmem:v6+s13+$0x0], $0xffff  }
0x232: {  	_ =	sdelay $0x2  }
0x233: {  	v33 =	vmul.f32 v33, v32  }
0x234: {  	v7 =	vmul.f32 v35, v34;
	v32 =	vmul.f32 v39, v38;
	v30 =	vld.idx.msk [tilespmem:v28+s12+$0x0], $0xffff  }
0x235: {  	v34 =	vmul.f32 v43, v41;
	v28 =	vld.idx.msk [tilespmem:v28+s13+$0x0], $0xffff;
	v43 =	vmul.f32 v58, v55;
	v55 =	vor.u32 $0x7, v9  }
0x236: {  	v31 =	vmul.f32 v48, v46;
	v39 =	vld.idx.msk [tilespmem:v9+s13+$0x0], $0xffff;
	v46 =	vmul.f32 v59, v57;
	v59 =	vor.u32 $0xB, v9  }
0x237: {  	v41 =	vmul.f32 v53, v52;
	v53 =	vld.idx.msk [tilespmem:v9+s12+$0x0], $0xffff  }
0x238: {  	v57 =	vld.idx.msk [tilespmem:v27+s12+$0x0], $0xffff  }
0x239: {  	v58 =	vld.idx.msk [tilespmem:v27+s13+$0x0], $0xffff;
	[tilespmem:$0x1FB70] =	vst v7;
	v7 =	vmul.f32 v37, v36;
	v36 =	vor.u32 $0x3, v9  }
0x23a: {  	v35 =	vmul.f32 v45, v44;
	v44 =	vld.idx.msk [tilespmem:v55+s13+$0x0], $0xffff  }
0x23b: {  	v38 =	vmul.f32 v51, v50;
	v37 =	vmul.f32 v49, v47;
	v52 =	vld.idx.msk [tilespmem:v59+s12+$0x0], $0xffff  }
0x23c: {  	v49 =	vmul.f32 v63, v62;
	v62 =	vor.u32 $0xF, v9;
	v39 =	vmul.f32 v39, v53;
	v53 =	vld.idx.msk [tilespmem:v59+s13+$0x0], $0xffff  }
0x23d: {  	v50 =	vmul.f32 v28, v30;
	v30 =	vmul.f32 v42, v40;
	v42 =	vld [tilespmem:$0x1FF30]  }
0x23e: {  	v51 =	vor.u32 $0x13, v9;
	v47 =	vmul.f32 v61, v60;
	v60 =	vld.idx.msk [tilespmem:v36+s12+$0x0], $0xffff  }
0x23f: {  	v1 =	vmul.f32 v4, v1;
	v4 =	vmul.f32 v58, v57;
	v57 =	vor.u32 $0x17, v9;
	v61 =	vld.idx.msk [tilespmem:v36+s13+$0x0], $0xffff  }
0x240: {  	v36 =	vld.idx.msk [tilespmem:v55+s12+$0x0], $0xffff  }
0x241: {  	v5 =	vmul.f32 v8, v5;
	v8 =	vmul.f32 v13, v12;
	v59 =	vor.u32 $0x1B, v9;
	v58 =	vld.idx.msk [tilespmem:v62+s12+$0x0], $0xffff  }
0x242: {  	v13 =	vmul.f32 v15, v14;
	v14 =	vmul.f32 v17, v16;
	v16 =	vld.idx.msk [tilespmem:v62+s13+$0x0], $0xffff  }
0x243: {  	v62 =	vld.idx.msk [tilespmem:v51+s13+$0x0], $0xffff  }
0x244: {  	v2 =	vmul.f32 v24, v2;
	v40 =	vor.u32 $0x27, v9;
	v4 =	vadd.f32 $0.0e+00, v4;
	v24 =	vld.idx.msk [tilespmem:v57+s12+$0x0], $0xffff  }
0x245: {  	v27 =	vld.idx.msk [tilespmem:v57+s13+$0x0], $0xffff  }
0x246: {  	v28 =	vor.u32 $0x23, v9;
	v2 =	vadd.f32 v2, v4;
	v4 =	vld.idx.msk [tilespmem:v59+s13+$0x0], $0xffff  }
0x247: {  	v3 =	vmul.f32 v6, v3;
	v55 =	vadd.f32 $0.0e+00, v50;
	v6 =	vmul.f32 v53, v52;
	v52 =	vld [tilespmem:$0x1FF10]  }
0x248: {  	v53 =	vld [tilespmem:$0x1FF20]  }
0x249: {  	v0 =	vmul.f32 v22, v0;
	v3 =	vadd.f32 v3, v55;
	v57 =	vld.idx.msk [tilespmem:v40+s12+$0x0], $0xffff  }
0x24a: {  	v10 =	vmul.f32 v11, v10;
	v11 =	vld.idx.msk [tilespmem:v40+s13+$0x0], $0xffff  }
0x24b: {  	v0 =	vadd.f32 v0, v3;
	v3 =	vmul.f32 v56, v54;
	v54 =	vld.idx.msk [tilespmem:v28+s12+$0x0], $0xffff  }
0x24c: {  	v17 =	vmul.f32 v19, v18;
	v63 =	vmul.f32 v21, v20;
	v56 =	vld.idx.msk [tilespmem:v28+s13+$0x0], $0xffff  }
0x24d: {  	v45 =	vmul.f32 v25, v23;
	v12 =	vmul.f32 v61, v60;
	v60 =	vld.idx.msk [tilespmem:v51+s12+$0x0], $0xffff  }
0x24e: {  	v20 =	vadd.f32 $0.0e+00, v39;
	v55 =	vor.u32 $0x2F, v9;
	v19 =	vmul.f32 v44, v36;
	v36 =	vld.idx.msk [tilespmem:v59+s12+$0x0], $0xffff  }
0x24f: {  	v44 =	vld [tilespmem:$0x1FF40]  }
0x250: {  	v20 =	vadd.f32 v45, v20;
	v25 =	vmul.f32 v16, v58;
	v58 =	vld [tilespmem:$0x1FEF0]  }
0x251: {  	v59 =	vld [tilespmem:$0x1FF00]  }
0x252: {  	v61 =	vadd.f32 v63, v20;
	v20 =	vld [tilespmem:$0x1FEE0]  }
0x253: {  	v2 =	vadd.f32 v10, v2;
	v23 =	vld.idx.msk [tilespmem:v55+s12+$0x0], $0xffff  }
0x254: {  	v10 =	vld.idx.msk [tilespmem:v55+s13+$0x0], $0xffff  }
0x255: {  	v63 =	vor.u32 $0x1F, v9;
	v2 =	vadd.f32 v3, v2;
	v55 =	vld [tilespmem:$0x1FE20]  }
0x256: {  	v48 =	vmul.f32 v27, v24;
	v24 =	vld [tilespmem:$0x1FEB0]  }
0x257: {  	v50 =	vor.u32 $0x2B, v9;
	v2 =	vadd.f32 v30, v2;
	v30 =	vld [tilespmem:$0x1FE90]  }
0x258: {  	v27 =	vmul.f32 v11, v57;
	v57 =	vld [tilespmem:$0x1FFA0]  }
0x259: {  	v21 =	vor.u32 $0x37, v9;
	v22 =	vmul.f32 v56, v54;
	v54 =	vld [tilespmem:$0x1FE10]  }
0x25a: {  	v45 =	vld.idx.msk [tilespmem:v63+s12+$0x0], $0xffff  }
0x25b: {  	v51 =	vld.idx.msk [tilespmem:v63+s13+$0x0], $0xffff  }
0x25c: {  	v39 =	vmul.f32 v62, v60;
	v62 =	vld.idx.msk [tilespmem:v50+s12+$0x0], $0xffff  }
0x25d: {  	v0 =	vadd.f32 v17, v0;
	v63 =	vld [tilespmem:$0x1FED0]  }
0x25e: {  	v12 =	vadd.f32 $0.0e+00, v12;
	v60 =	vor.u32 $0x33, v9;
	v9 =	vld.idx.msk [tilespmem:v21+s13+$0x0], $0xffff  }
0x25f: {  	v14 =	vadd.f32 v14, v61;
	v0 =	vadd.f32 v13, v0;
	v13 =	vmul.f32 v44, v42;
	v42 =	vld [tilespmem:$0x1FE50]  }
0x260: {  	v12 =	vadd.f32 v19, v12;
	v44 =	vld.idx.msk [tilespmem:v29+s13+$0x0], $0xffff  }
0x261: {  	v8 =	vadd.f32 v8, v14;
	v0 =	vadd.f32 v5, v0;
	v5 =	vmul.f32 v53, v52;
	v52 =	vld [tilespmem:$0x1FFD0]  }
0x262: {  	v53 =	vld [tilespmem:$0x1FFE0];
	v6 =	vadd.f32 v6, v12  }
0x263: {  	v15 =	vmul.f32 v59, v58;
	v58 =	vld [tilespmem:$0x1FFC0];
	v1 =	vadd.f32 v1, v8  }
0x264: {  	v59 =	vld [tilespmem:$0x1FDF0];
	v3 =	vadd.f32 v25, v6  }
0x265: {  	v12 =	vld.idx.msk [tilespmem:v50+s13+$0x0], $0xffff;
	v1 =	vadd.f32 v47, v1  }
0x266: {  	v50 =	vld.idx.msk [tilespmem:v26+s13+$0x0], $0xffff;
	v3 =	vadd.f32 v39, v3  }
0x267: {  	v0 =	vadd.f32 v49, v0;
	v49 =	vld [tilespmem:$0x1FE40];
	v1 =	vadd.f32 v43, v1  }
0x268: {  	v4 =	vmul.f32 v4, v36;
	v2 =	vadd.f32 v13, v2;
	v25 =	vld [tilespmem:$0x1FEC0];
	v3 =	vadd.f32 v48, v3  }
0x269: {  	v47 =	vld [tilespmem:$0x1FB70];
	v1 =	vadd.f32 v38, v1  }
0x26a: {  	v2 =	vadd.f32 v5, v2;
	v61 =	vmul.f32 v51, v45;
	v28 =	vld.idx.msk [tilespmem:v60+s12+$0x0], $0xffff;
	v3 =	vadd.f32 v4, v3  }
0x26b: {  	v0 =	vadd.f32 v46, v0;
	v1 =	vadd.f32 v31, v1;
	v31 =	vld [tilespmem:$0x1FEA0]  }
0x26c: {  	v16 =	vmul.f32 v20, v63;
	v39 =	vld [tilespmem:$0x1FE80];
	v2 =	vadd.f32 v15, v2;
	v3 =	vadd.f32 v61, v3  }
0x26d: {  	v0 =	vadd.f32 v41, v0;
	v38 =	vld [tilespmem:$0x1FE70]  }
0x26e: {  	v5 =	vld.idx.msk [tilespmem:v60+s13+$0x0], $0xffff;
	v13 =	vmul.f32 v25, v24;
	v2 =	vadd.f32 v16, v2;
	v3 =	vadd.f32 v22, v3  }
0x26f: {  	v43 =	vld [tilespmem:$0x1FE60];
	v36 =	vmul.f32 v12, v62;
	v0 =	vadd.f32 v37, v0  }
0x270: {  	v48 =	vld [tilespmem:$0x1FE30];
	v2 =	vadd.f32 v13, v2;
	v11 =	vmul.f32 v31, v30;
	v3 =	vadd.f32 v27, v3  }
0x271: {  	v40 =	vmul.f32 v10, v23;
	v37 =	vld.idx.msk [tilespmem:v21+s12+$0x0], $0xffff;
	v0 =	vadd.f32 v35, v0;
	v1 =	vadd.f32 v34, v1  }
0x272: {  	v41 =	vld.idx.msk [tilespmem:v29+s12+$0x0], $0xffff;
	v13 =	vmul.f32 v39, v38;
	v2 =	vadd.f32 v11, v2;
	v3 =	vadd.f32 v36, v3  }
0x273: {  	v46 =	vld.idx.msk [tilespmem:v26+s12+$0x0], $0xffff;
	v45 =	vmul.f32 v5, v28;
	v0 =	vadd.f32 v32, v0;
	v1 =	vadd.f32 v7, v1  }
0x274: {  	v60 =	vld [tilespmem:$0x1FE00];
	v7 =	vmul.f32 v43, v42;
	v2 =	vadd.f32 v13, v2;
	v3 =	vadd.f32 v40, v3  }
0x275: {  	v63 =	vld [tilespmem:$0x1FF80];
	v6 =	vmul.f32 v49, v48;
	v0 =	vadd.f32 v47, v0;
	v1 =	vadd.f32 v33, v1  }
0x276: {  	v62 =	vld [tilespmem:$0x1FF50];
	v51 =	vmul.f32 v9, v37;
	v2 =	vadd.f32 v7, v2;
	v3 =	vadd.f32 v45, v3  }
0x277: {  	v56 =	vmul.f32 v44, v41;
	v0 =	vadd.f32 v53, v0;
	v1 =	vadd.f32 v52, v1  }
0x278: {  	v7 =	vmul.f32 v55, v54;
	v2 =	vadd.f32 v6, v2;
	v3 =	vadd.f32 v51, v3  }
0x279: {  	v61 =	vmul.f32 v50, v46;
	v0 =	vadd.f32 v58, v0;
	v1 =	vadd.f32 v57, v1  }
0x27a: {  	v6 =	vmul.f32 v60, v59;
	v2 =	vadd.f32 v7, v2;
	v3 =	vadd.f32 v56, v3  }
0x27b: {  	v0 =	vadd.f32 v63, v0;
	v1 =	vadd.f32 v62, v1  }
0x27c: {  	v2 =	vadd.f32 v6, v2;
	v3 =	vadd.f32 v61, v3;
	_ =	sdelay $0x1  }
0x27d: {  	v0 =	vadd.f32 v0, v1;
	v1 =	vadd.f32 v3, v2;
	_ =	sdelay $0x1  }
0x27e: {  	v0 =	vadd.f32 v1, v0;
	_ =	sdelay $0x1  }
0x27f: {  	v0 =	vsub.f32 $0.0e+00, v0;
	_ =	sdelay $0x1  }
0x280: {  	v0 =	vmul.f32 $1.442695020e+00, v0;
	_ =	sdelay $0x1  }
0x281: {  	(erf) = vpow2.f32 v0;
	_ =	sdelay $0x8  }
0x282: {  	v0 =	vpop (erf)  }
0x283: {  	v0 =	vadd.f32 $1.000000000e+00, v0;
	_ =	sdelay $0x1  }
0x284: {  	(erf) = vrcp.f32 v0;
	_ =	sdelay $0x7  }
0x285: {  	s28 =	sadd.s32 $0x1, s28  }
0x286: {  	s29 =	sadd.s32 $0x10, s29;
	p0 =	sne.s32 s28, s8;
	v0 =	vpop (erf)  }
.Ltmp1:
0x287: {  	[tilespmem:s29+$0x0] =	vst v0;
	(pc) =	sbr.rel @p0 .LBB2_1-.Ltmp1, $4  }
0x288: {  	[hbm4b:s7+s1] =	stream.linear.scatter [tilespmem:s26], [sflag:$0x2], $0x200, $0x38;
	[tilespmem:$0x10600] =	vst v63  }
0x289: {  	_ =	swait.ge [sflag:s9], $0x200  }
0x28a: {  	[sflag:s9] =	ssyncset.done $0x0  }
0x28b: {  	v1 =	vld [tilespmem:$0x1FFF0];
	[sflag:s9] =	ssyncadd.s32 $0xFFFFFE00  }
0x28c: {  	_ =	sfence.sel $0x180000  }
0x28d: {  	[bflag:$0x0] =	sbarrier.arrive $0xFFFF  }
0x28e: {  	p0 =	sne.s32 s2, $0x0;
	_ =	strace $0x90000047  }
0x28f: {  	s0 =	sadd.s32 @!p0 $0x100000, s0;
	[bflag:$0x2] =	sbarrier.arrive $0xFFFF  }
0x290: {  	[sflag:s0] =	ssyncadd.tile.s32 @!p0 $0x1;
	_ =	shalt  }
.Lfunc_end2:
_tile_overlayer_lowered:
.L_overlay_start_2:
0x291: {  	(tag) =	ssettag $0x2  }
0x292: {  	s0 =	rddreg [dreg:$0x0];
	s2 =	stileid.u32  }
0x293: {  	s1 =	rddreg [dreg:$0x1];
	p0 =	sne.s32 s2, $0x0  }
0x294: {  	s3 =	rddreg [dreg:$0x2];
	[bflag:$0x3] =	sbarrier.arrive $0xFFFF;
	s2 =	simm.s32 @!p0 $0x1C02  }
0x295: {  	[timem:s3], [sflag:s2] =	dma.local @!p0 [hbm:s0], s1  }
0x296: {  	s0 =	simm.s32 @!p0 $0x2  }
0x297: {  	_ =	swait.ge @!p0 [sflag:s0], s1  }
0x298: {  	s1 =	ssub.s32 @!p0 $0x0, s1;
	[sflag:s0] =	ssyncset.done @!p0 $0x0  }
0x299: {  	[sflag:s0] =	ssyncadd.s32 @!p0 s1  }
0x29a: {  	[bflag:$0x3] =	sbarrier.arrive $0xFFFF  }
0x29b: {  	_ =	shalt  }

</sc_bundles>
